<compile_context>
chip_gen: v7x
topology: tpu7x:2x2x1
jax: 0.10.2.dev20260603
libtpu: 0.0.44.dev20260713+nightly
codegen_flags: <defaults>
</compile_context>

<pallas_src>
import functools

import jax
import jax.numpy as jnp
from jax.experimental import pallas as pl
from jax.experimental.pallas import tpu as pltpu
from jax.experimental.pallas import tpu_sc as plsc

N_E = 8192
E_DIM = 256
ST = 128
BETA = 0.25
ENT_RATIO = 0.1

_R = 128
_NROWS = 16384
_NB = _NROWS // _R
_SC_CHUNK = 128


def _l2n(x):
    return x / jnp.clip(jnp.linalg.norm(x, axis=-1, keepdims=True), 1e-12, None)


def _vq_body(zraw_ref, ecm2_ref,
             set_ref, seg_ref, sec_ref,
             idx_ref, scal_ref,
             accp_s, sacc_s, gt_s, gg_s, esw_s, ssc_s, iota_s):
    i = pl.program_id(0)

    @pl.when(i == 0)
    def _init():
        accp_s[...] = jnp.zeros_like(accp_s)
        sacc_s[0] = 0.0
        sacc_s[1] = 0.0
        sacc_s[2] = 0.0
        sacc_s[3] = 0.0
        et = ecm2_ref[:, :ST]
        eg = ecm2_ref[:, ST:]
        iota_s[...] = jax.lax.broadcasted_iota(
            jnp.int32, (1, N_E), 1).astype(jnp.float32)
        gt_s[...] = jax.lax.dot_general(et, et, (((0,), (0,)), ((), ())),
                                        preferred_element_type=jnp.float32)
        gg_s[...] = jax.lax.dot_general(eg, eg, (((0,), (0,)), ((), ())),
                                        preferred_element_type=jnp.float32)
        ones_r = jnp.ones((1, N_E), jnp.float32)
        esw_s[0:1, :] = jax.lax.dot_general(
            ones_r, et, (((1,), (0,)), ((), ())),
            preferred_element_type=jnp.float32)
        esw_s[1:2, :] = jax.lax.dot_general(
            set_ref[...], et, (((1,), (0,)), ((), ())),
            preferred_element_type=jnp.float32)
        esw_s[2:3, :] = jax.lax.dot_general(
            ones_r, eg, (((1,), (0,)), ((), ())),
            preferred_element_type=jnp.float32)
        esw_s[3:4, :] = jax.lax.dot_general(
            seg_ref[...], eg, (((1,), (0,)), ((), ())),
            preferred_element_type=jnp.float32)
        se_t = set_ref[...]
        se_g = seg_ref[...]
        ssc_s[0] = jnp.sum(se_t)
        ssc_s[1] = jnp.sum(se_t * se_t)
        ssc_s[2] = jnp.sum(se_g)
        ssc_s[3] = jnp.sum(se_g * se_g)

    zraw = zraw_ref[...]
    zt = zraw[:, :ST]
    zg = zraw[:, ST:]
    nt = jnp.clip(jnp.sqrt(jnp.sum(zt * zt, axis=1, keepdims=True)),
                  1e-12, None)
    ng = jnp.clip(jnp.sqrt(jnp.sum(zg * zg, axis=1, keepdims=True)),
                  1e-12, None)
    ztn = zt / nt
    zgn = zg / ng
    znc = jnp.concatenate([ztn, zgn], axis=1)
    stt_row = jnp.sum(ztn * ztn, axis=1, keepdims=True)
    stg_row = jnp.sum(zgn * zgn, axis=1, keepdims=True)
    sz = stt_row + stg_row
    ip = jax.lax.dot_general(znc, ecm2_ref[...], (((1,), (1,)), ((), ())),
                             preferred_element_type=jnp.float32)
    d = (sz + sec_ref[...]) + ip

    stt_v = stt_row
    stg_v = stg_row
    ut = jax.lax.dot_general(ztn, esw_s[0:2, :], (((1,), (1,)), ((), ())),
                             preferred_element_type=jnp.float32)
    ug = jax.lax.dot_general(zgn, esw_s[2:4, :], (((1,), (1,)), ((), ())),
                             preferred_element_type=jnp.float32)
    ht = jax.lax.dot_general(ztn, gt_s[...], (((1,), (0,)), ((), ())),
                             preferred_element_type=jnp.float32)
    hg = jax.lax.dot_general(zgn, gg_s[...], (((1,), (0,)), ((), ())),
                             preferred_element_type=jnp.float32)
    cross_t = jnp.sum(stt_v * ut[:, 0:1]) + jnp.sum(ut[:, 1:2])
    cross_g = jnp.sum(stg_v * ug[:, 0:1]) + jnp.sum(ug[:, 1:2])
    gram_t = jnp.sum(ht * ztn)
    gram_g = jnp.sum(hg * zgn)
    pdt = (N_E * jnp.sum(stt_v * stt_v) + _R * ssc_s[1]
           + 2.0 * jnp.sum(stt_v) * ssc_s[0]) + 2.0 * cross_t + gram_t
    pdg = (N_E * jnp.sum(stg_v * stg_v) + _R * ssc_s[3]
           + 2.0 * jnp.sum(stg_v) * ssc_s[2]) + 2.0 * cross_g + gram_g

    minv = jnp.min(d, axis=1, keepdims=True)
    cand = jnp.where(d == minv, iota_s[...], float(N_E))
    midx = jnp.min(cand, axis=1).astype(jnp.int32)
    idx_ref[...] = midx.reshape(1, 1, _R)

    pvq = jnp.sum(minv)

    md = minv - d
    e = jnp.exp(md * 100.0)
    s = jnp.sum(e, axis=1, keepdims=True)
    t = jnp.sum(e * md, axis=1, keepdims=True)
    rinv = 1.0 / s
    plogp = t * rinv * 100.0 - jnp.log(s)
    psum = jnp.sum(plogp)
    accp_s[...] += jax.lax.dot_general(rinv, e, (((0,), (0,)), ((), ())),
                                       preferred_element_type=jnp.float32)

    sacc_s[0] += pdt
    sacc_s[1] += pdg
    sacc_s[2] += pvq
    sacc_s[3] += psum

    @pl.when(i == _NB - 1)
    def _fin():
        avg = accp_s[...] * (1.0 / _NROWS)
        avg_ent = -jnp.sum(avg * jnp.log(avg + 1e-05))
        sample_ent = -(sacc_s[3] / _NROWS)
        vq = sacc_s[2] / (_NROWS * 256.0)
        scal_ref[0] = vq
        scal_ref[1] = BETA * vq
        scal_ref[2] = ENT_RATIO * (sample_ent - avg_ent)
        scal_ref[3] = sacc_s[0] / _NROWS
        scal_ref[4] = sacc_s[1] / _NROWS


def _make_sc_gather():
    info = plsc.get_sparse_core_info()
    nw = info.num_cores * info.num_subcores
    bpw = _NROWS // nw
    nch = bpw // _SC_CHUNK
    mesh = plsc.VectorSubcoreMesh(core_axis_name="c", subcore_axis_name="s")

    @functools.partial(
        pl.kernel, mesh=mesh,
        out_type=jax.ShapeDtypeStruct((_NROWS, E_DIM), jnp.float32),
        scratch_types=[
            pltpu.VMEM((_SC_CHUNK,), jnp.int32),
            pltpu.VMEM((_SC_CHUNK, E_DIM), jnp.float32),
            pltpu.SemaphoreType.DMA,
        ],
    )
    def gather_k(table_hbm, idx_hbm, out_hbm, idx_v, rows_v, sem):
        wid = jax.lax.axis_index("s") * info.num_cores + jax.lax.axis_index("c")
        base = wid * bpw
        for c in range(nch):
            off = base + c * _SC_CHUNK
            pltpu.sync_copy(idx_hbm.at[pl.ds(off, _SC_CHUNK)], idx_v)
            pltpu.async_copy(table_hbm.at[idx_v], rows_v, sem).wait()
            pltpu.sync_copy(rows_v, out_hbm.at[pl.ds(off, _SC_CHUNK)])

    return gather_k


def kernel(z, emb_text, emb_graph):
    z_flat = z.reshape(-1, E_DIM)
    et_n = _l2n(emb_text)
    eg_n = _l2n(emb_graph)

    se_t = jnp.sum(et_n ** 2, axis=1).reshape(1, N_E)
    se_g = jnp.sum(eg_n ** 2, axis=1).reshape(1, N_E)
    sec = se_t + se_g
    all_emb = jnp.concatenate([et_n, eg_n], axis=-1)

    idx3, scal = pl.pallas_call(
        _vq_body,
        grid=(_NB,),
        in_specs=[
            pl.BlockSpec((_R, E_DIM), lambda i: (i, 0)),
            pl.BlockSpec((N_E, E_DIM), lambda i: (0, 0)),
            pl.BlockSpec((1, N_E), lambda i: (0, 0)),
            pl.BlockSpec((1, N_E), lambda i: (0, 0)),
            pl.BlockSpec((1, N_E), lambda i: (0, 0)),
        ],
        out_specs=[
            pl.BlockSpec((1, 1, _R), lambda i: (i, 0, 0)),
            pl.BlockSpec(memory_space=pltpu.SMEM),
        ],
        out_shape=[
            jax.ShapeDtypeStruct((_NB, 1, _R), jnp.int32),
            jax.ShapeDtypeStruct((8,), jnp.float32),
        ],
        scratch_shapes=[
            pltpu.VMEM((1, N_E), jnp.float32),
            pltpu.SMEM((8,), jnp.float32),
            pltpu.VMEM((ST, ST), jnp.float32),
            pltpu.VMEM((ST, ST), jnp.float32),
            pltpu.VMEM((4, ST), jnp.float32),
            pltpu.SMEM((4,), jnp.float32),
            pltpu.VMEM((1, N_E), jnp.float32),
        ],
    )(z_flat, -2.0 * all_emb, se_t, se_g, sec)

    min_idx = idx3.reshape(_NROWS)
    zq = _make_sc_gather()(all_emb, min_idx)

    z_q_out = zq.reshape(z.shape)
    z_q_text = zq[:, :ST].reshape(z.shape[0], z.shape[1], ST)
    z_q_graph = zq[:, ST:].reshape(z.shape[0], z.shape[1], ST)
    return (z_q_out, scal[0], scal[1], scal[2], scal[3], scal[4],
            z_q_text, z_q_graph, min_idx)

# --- scband reference (transcript-rebuilt; emitter-appended) ---
"""Pipeline reference for scband-vector-quantizer-88811333747152 (READ-ONLY COPY).

The authoritative reference and input builder live on the scoring server;
editing this copy changes nothing except your own understanding.
"""

import jax, jax.numpy as jnp
import numpy as np

N_E = 8192
E_DIM = 256
SPLIT = (128, 128)
BETA = 0.25
ENT_RATIO = 0.1


def l2norm(x):
    return x / jnp.clip(jnp.linalg.norm(x, axis=-1, keepdims=True), 1e-12, None)


def compute_entropy_loss(affinity, temperature=0.01):
    flat = affinity.reshape(-1, affinity.shape[-1]) / temperature
    probs = jax.nn.softmax(flat, axis=-1)
    log_probs = jax.nn.log_softmax(flat + 1e-05, axis=-1)
    target_probs = probs
    avg_probs = jnp.mean(target_probs, axis=0)
    avg_entropy = -jnp.sum(avg_probs * jnp.log(avg_probs + 1e-05))
    sample_entropy = -jnp.mean(jnp.sum(target_probs * log_probs, axis=-1))
    return sample_entropy - avg_entropy


def setup_inputs(seed: int = 0) -> dict:
    key = jax.random.key(seed)
    k1, k2, k3 = jax.random.split(key, 3)
    z = jax.random.normal(k1, (16, 1024, E_DIM), dtype=jnp.float32)
    emb_text = jax.random.uniform(k2, (N_E, SPLIT[0]), dtype=jnp.float32, minval=-1.0 / N_E, maxval=1.0 / N_E)
    emb_text = l2norm(emb_text)
    emb_graph = jax.random.uniform(k3, (N_E, SPLIT[1]), dtype=jnp.float32, minval=-1.0 / N_E, maxval=1.0 / N_E)
    emb_graph = l2norm(emb_graph)
    return {"z": z, "emb_text": emb_text, "emb_graph": emb_graph}


def reference(z, emb_text, emb_graph):
    st = SPLIT[0]
    z_text = z[..., :st]
    z_graph = z[..., st:]
    z_flat = z.reshape(-1, E_DIM)
    zf_text = z_flat[:, :st]
    zf_graph = z_flat[:, st:]
    zf_text_n = l2norm(zf_text)
    zf_graph_n = l2norm(zf_graph)
    z_text_n = l2norm(z_text)
    z_graph_n = l2norm(z_graph)
    et_n = l2norm(emb_text)
    eg_n = l2norm(emb_graph)
    z_n = jnp.concatenate([z_text_n, z_graph_n], axis=-1)
    d_text = (jnp.sum(zf_text_n ** 2, axis=1, keepdims=True)
              + jnp.sum(et_n ** 2, axis=1)
              - 2.0 * jnp.einsum('bd,dn->bn', zf_text_n, et_n.T))
    d_graph = (jnp.sum(zf_graph_n ** 2, axis=1, keepdims=True)
               + jnp.sum(eg_n ** 2, axis=1)
               - 2.0 * jnp.einsum('bd,dn->bn', zf_graph_n, eg_n.T))
    text_d_norm = jnp.mean(jnp.sum(d_text ** 2, axis=-1))
    graph_d_norm = jnp.mean(jnp.sum(d_graph ** 2, axis=-1))
    d = d_text + 1.0 * d_graph
    min_idx = jnp.argmin(d, axis=1)
    all_emb = jnp.concatenate([et_n, eg_n], axis=-1)
    z_q = jnp.take(all_emb, min_idx, axis=0).reshape(z_n.shape)
    z_q_text = jnp.take(et_n, min_idx, axis=0).reshape(z_text_n.shape)
    z_q_graph = jnp.take(eg_n, min_idx, axis=0).reshape(z_graph_n.shape)
    vq_loss = jnp.mean((z_q - jax.lax.stop_gradient(z_n)) ** 2)
    commit_loss = BETA * jnp.mean((jax.lax.stop_gradient(z_q) - z_n) ** 2)
    entropy_loss = ENT_RATIO * compute_entropy_loss(-d)
    z_q_out = z_n + jax.lax.stop_gradient(z_q - z_n)
    return (z_q_out, vq_loss, commit_loss, entropy_loss, text_d_norm, graph_d_norm, z_q_text, z_q_graph, min_idx)

if __name__ == "__main__":
    import jax
    _d = setup_inputs()
    print(jax.jit(kernel)(*tuple(_d.values())))

</pallas_src>

<mosaic_0001>
#map = affine_map<(d0, d1) -> (0, 0)>
#map1 = affine_map<(d0, d1) -> (0)>
module attributes {stable_mosaic.version = 14 : i64} {
  func.func @gather_k(%arg0: i32, %arg1: i32, %arg2: memref<8192x256xf32, #tpu.memory_space<hbm>>, %arg3: memref<16384xi32, #tpu.memory_space<hbm>>, %arg4: memref<16384x256xf32, #tpu.memory_space<hbm>>, %arg5: memref<128xi32, #tpu.memory_space<vmem>>, %arg6: memref<128x256xf32, #tpu.memory_space<vmem>>, %arg7: memref<!tpu.dma_semaphore, #tpu.memory_space<semaphore_mem>>) attributes {dimension_semantics = [#tpu.dimension_semantics<core_parallel>, #tpu.dimension_semantics<subcore_parallel>], iteration_bounds = array<i64: 2, 16>, scalar_prefetch = 0 : i64, scratch_operands = 3 : i64, tpu.core_type = #tpu.core_type<sc_vector_subcore>, window_params = [{transform_indices = #map}, {transform_indices = #map1}, {transform_indices = #map}]} {
    %mul3A = arith.constant 2 : i32
    %mul3A_0 = arith.muli %arg1, %mul3A : i32
    %add3A = arith.addi %mul3A_0, %arg0 : i32
    %mul3A_1 = arith.constant 512 : i32
    %mul3A_2 = arith.muli %add3A, %mul3A_1 : i32
    %add3A_3 = arith.constant 0 : i32
    %add3A_4 = arith.addi %mul3A_2, %add3A_3 : i32
    "tpu.region"() ({
      %run_scoped3A = tpu.sem_alloc : memref<!tpu.dma_semaphore, #tpu.memory_space<semaphore_mem>>
      %dma_start3A_33 = tpu.memref_slice %arg3[%add3A_4] : memref<16384xi32, #tpu.memory_space<hbm>> -> memref<128xi32, #tpu.memory_space<hbm>>
      %dma_start3A_34 = tpu.memref_slice %arg3[%add3A_4] : memref<16384xi32, #tpu.memory_space<hbm>> -> memref<128xi32, #tpu.memory_space<hbm>>
      tpu.enqueue_dma source(%dma_start3A_34 : memref<128xi32, #tpu.memory_space<hbm>>) target(%arg5 : memref<128xi32, #tpu.memory_space<vmem>>) target_semaphore(%run_scoped3A : memref<!tpu.dma_semaphore, #tpu.memory_space<semaphore_mem>>)
      %dma_wait3A_35 = tpu.memref_slice %arg3[%add3A_4] : memref<16384xi32, #tpu.memory_space<hbm>> -> memref<128xi32, #tpu.memory_space<hbm>>
      %dma_wait3A_36 = tpu.memref_slice %arg3[%add3A_4] : memref<16384xi32, #tpu.memory_space<hbm>> -> memref<128xi32, #tpu.memory_space<hbm>>
      tpu.wait_dma2 semaphore(%run_scoped3A : memref<!tpu.dma_semaphore, #tpu.memory_space<semaphore_mem>>) src(%dma_wait3A_36 : memref<128xi32, #tpu.memory_space<hbm>>) dst(%arg5 : memref<128xi32, #tpu.memory_space<vmem>>)
      tpu.yield
    }) : () -> ()
    %dma_start3A = arith.constant 0 : i32
    %dma_start3A_5 = arith.constant 0 : i32
    %dma_start3A_6 = tpu.memref_slice %arg2[%dma_start3A, %dma_start3A_5] : memref<8192x256xf32, #tpu.memory_space<hbm>> -> memref<8192x256xf32, #tpu.memory_space<hbm>>
    tpu.enqueue_indirect_dma source(%dma_start3A_6 : memref<8192x256xf32, #tpu.memory_space<hbm>>) target(%arg6 : memref<128x256xf32, #tpu.memory_space<vmem>>) offsets(%arg5 : memref<128xi32, #tpu.memory_space<vmem>>) semaphore(%arg7 : memref<!tpu.dma_semaphore, #tpu.memory_space<semaphore_mem>>)
    %dma_wait3A = arith.constant 0 : i32
    %dma_wait3A_7 = arith.constant 0 : i32
    %dma_wait3A_8 = tpu.memref_slice %arg2[%dma_wait3A, %dma_wait3A_7] : memref<8192x256xf32, #tpu.memory_space<hbm>> -> memref<8192x256xf32, #tpu.memory_space<hbm>>
    tpu.wait_indirect_dma semaphore(%arg7 : memref<!tpu.dma_semaphore, #tpu.memory_space<semaphore_mem>>) src(%dma_wait3A_8 : memref<8192x256xf32, #tpu.memory_space<hbm>>) dst(%arg6 : memref<128x256xf32, #tpu.memory_space<vmem>>)
    "tpu.region"() ({
      %run_scoped3A = tpu.sem_alloc : memref<!tpu.dma_semaphore, #tpu.memory_space<semaphore_mem>>
      %dma_start3A_33 = arith.constant 0 : i32
      %dma_start3A_34 = tpu.memref_slice %arg4[%add3A_4, %dma_start3A_33] : memref<16384x256xf32, #tpu.memory_space<hbm>> -> memref<128x256xf32, #tpu.memory_space<hbm>>
      %dma_start3A_35 = arith.constant 0 : i32
      %dma_start3A_36 = tpu.memref_slice %arg4[%add3A_4, %dma_start3A_35] : memref<16384x256xf32, #tpu.memory_space<hbm>> -> memref<128x256xf32, #tpu.memory_space<hbm>>
      tpu.enqueue_dma source(%arg6 : memref<128x256xf32, #tpu.memory_space<vmem>>) target(%dma_start3A_36 : memref<128x256xf32, #tpu.memory_space<hbm>>) target_semaphore(%run_scoped3A : memref<!tpu.dma_semaphore, #tpu.memory_space<semaphore_mem>>)
      %dma_wait3A_37 = arith.constant 0 : i32
      %dma_wait3A_38 = tpu.memref_slice %arg4[%add3A_4, %dma_wait3A_37] : memref<16384x256xf32, #tpu.memory_space<hbm>> -> memref<128x256xf32, #tpu.memory_space<hbm>>
      %dma_wait3A_39 = arith.constant 0 : i32
      %dma_wait3A_40 = tpu.memref_slice %arg4[%add3A_4, %dma_wait3A_39] : memref<16384x256xf32, #tpu.memory_space<hbm>> -> memref<128x256xf32, #tpu.memory_space<hbm>>
      tpu.wait_dma2 semaphore(%run_scoped3A : memref<!tpu.dma_semaphore, #tpu.memory_space<semaphore_mem>>) src(%arg6 : memref<128x256xf32, #tpu.memory_space<vmem>>) dst(%dma_wait3A_40 : memref<128x256xf32, #tpu.memory_space<hbm>>)
      tpu.yield
    }) : () -> ()
    %add3A_9 = arith.constant 128 : i32
    %add3A_10 = arith.addi %mul3A_2, %add3A_9 : i32
    "tpu.region"() ({
      %run_scoped3A = tpu.sem_alloc : memref<!tpu.dma_semaphore, #tpu.memory_space<semaphore_mem>>
      %dma_start3A_33 = tpu.memref_slice %arg3[%add3A_10] : memref<16384xi32, #tpu.memory_space<hbm>> -> memref<128xi32, #tpu.memory_space<hbm>>
      %dma_start3A_34 = tpu.memref_slice %arg3[%add3A_10] : memref<16384xi32, #tpu.memory_space<hbm>> -> memref<128xi32, #tpu.memory_space<hbm>>
      tpu.enqueue_dma source(%dma_start3A_34 : memref<128xi32, #tpu.memory_space<hbm>>) target(%arg5 : memref<128xi32, #tpu.memory_space<vmem>>) target_semaphore(%run_scoped3A : memref<!tpu.dma_semaphore, #tpu.memory_space<semaphore_mem>>)
      %dma_wait3A_35 = tpu.memref_slice %arg3[%add3A_10] : memref<16384xi32, #tpu.memory_space<hbm>> -> memref<128xi32, #tpu.memory_space<hbm>>
      %dma_wait3A_36 = tpu.memref_slice %arg3[%add3A_10] : memref<16384xi32, #tpu.memory_space<hbm>> -> memref<128xi32, #tpu.memory_space<hbm>>
      tpu.wait_dma2 semaphore(%run_scoped3A : memref<!tpu.dma_semaphore, #tpu.memory_space<semaphore_mem>>) src(%dma_wait3A_36 : memref<128xi32, #tpu.memory_space<hbm>>) dst(%arg5 : memref<128xi32, #tpu.memory_space<vmem>>)
      tpu.yield
    }) : () -> ()
    %dma_start3A_11 = arith.constant 0 : i32
    %dma_start3A_12 = arith.constant 0 : i32
    %dma_start3A_13 = tpu.memref_slice %arg2[%dma_start3A_11, %dma_start3A_12] : memref<8192x256xf32, #tpu.memory_space<hbm>> -> memref<8192x256xf32, #tpu.memory_space<hbm>>
    tpu.enqueue_indirect_dma source(%dma_start3A_13 : memref<8192x256xf32, #tpu.memory_space<hbm>>) target(%arg6 : memref<128x256xf32, #tpu.memory_space<vmem>>) offsets(%arg5 : memref<128xi32, #tpu.memory_space<vmem>>) semaphore(%arg7 : memref<!tpu.dma_semaphore, #tpu.memory_space<semaphore_mem>>)
    %dma_wait3A_14 = arith.constant 0 : i32
    %dma_wait3A_15 = arith.constant 0 : i32
    %dma_wait3A_16 = tpu.memref_slice %arg2[%dma_wait3A_14, %dma_wait3A_15] : memref<8192x256xf32, #tpu.memory_space<hbm>> -> memref<8192x256xf32, #tpu.memory_space<hbm>>
    tpu.wait_indirect_dma semaphore(%arg7 : memref<!tpu.dma_semaphore, #tpu.memory_space<semaphore_mem>>) src(%dma_wait3A_16 : memref<8192x256xf32, #tpu.memory_space<hbm>>) dst(%arg6 : memref<128x256xf32, #tpu.memory_space<vmem>>)
    "tpu.region"() ({
      %run_scoped3A = tpu.sem_alloc : memref<!tpu.dma_semaphore, #tpu.memory_space<semaphore_mem>>
      %dma_start3A_33 = arith.constant 0 : i32
      %dma_start3A_34 = tpu.memref_slice %arg4[%add3A_10, %dma_start3A_33] : memref<16384x256xf32, #tpu.memory_space<hbm>> -> memref<128x256xf32, #tpu.memory_space<hbm>>
      %dma_start3A_35 = arith.constant 0 : i32
      %dma_start3A_36 = tpu.memref_slice %arg4[%add3A_10, %dma_start3A_35] : memref<16384x256xf32, #tpu.memory_space<hbm>> -> memref<128x256xf32, #tpu.memory_space<hbm>>
      tpu.enqueue_dma source(%arg6 : memref<128x256xf32, #tpu.memory_space<vmem>>) target(%dma_start3A_36 : memref<128x256xf32, #tpu.memory_space<hbm>>) target_semaphore(%run_scoped3A : memref<!tpu.dma_semaphore, #tpu.memory_space<semaphore_mem>>)
      %dma_wait3A_37 = arith.constant 0 : i32
      %dma_wait3A_38 = tpu.memref_slice %arg4[%add3A_10, %dma_wait3A_37] : memref<16384x256xf32, #tpu.memory_space<hbm>> -> memref<128x256xf32, #tpu.memory_space<hbm>>
      %dma_wait3A_39 = arith.constant 0 : i32
      %dma_wait3A_40 = tpu.memref_slice %arg4[%add3A_10, %dma_wait3A_39] : memref<16384x256xf32, #tpu.memory_space<hbm>> -> memref<128x256xf32, #tpu.memory_space<hbm>>
      tpu.wait_dma2 semaphore(%run_scoped3A : memref<!tpu.dma_semaphore, #tpu.memory_space<semaphore_mem>>) src(%arg6 : memref<128x256xf32, #tpu.memory_space<vmem>>) dst(%dma_wait3A_40 : memref<128x256xf32, #tpu.memory_space<hbm>>)
      tpu.yield
    }) : () -> ()
    %add3A_17 = arith.constant 256 : i32
    %add3A_18 = arith.addi %mul3A_2, %add3A_17 : i32
    "tpu.region"() ({
      %run_scoped3A = tpu.sem_alloc : memref<!tpu.dma_semaphore, #tpu.memory_space<semaphore_mem>>
      %dma_start3A_33 = tpu.memref_slice %arg3[%add3A_18] : memref<16384xi32, #tpu.memory_space<hbm>> -> memref<128xi32, #tpu.memory_space<hbm>>
      %dma_start3A_34 = tpu.memref_slice %arg3[%add3A_18] : memref<16384xi32, #tpu.memory_space<hbm>> -> memref<128xi32, #tpu.memory_space<hbm>>
      tpu.enqueue_dma source(%dma_start3A_34 : memref<128xi32, #tpu.memory_space<hbm>>) target(%arg5 : memref<128xi32, #tpu.memory_space<vmem>>) target_semaphore(%run_scoped3A : memref<!tpu.dma_semaphore, #tpu.memory_space<semaphore_mem>>)
      %dma_wait3A_35 = tpu.memref_slice %arg3[%add3A_18] : memref<16384xi32, #tpu.memory_space<hbm>> -> memref<128xi32, #tpu.memory_space<hbm>>
      %dma_wait3A_36 = tpu.memref_slice %arg3[%add3A_18] : memref<16384xi32, #tpu.memory_space<hbm>> -> memref<128xi32, #tpu.memory_space<hbm>>
      tpu.wait_dma2 semaphore(%run_scoped3A : memref<!tpu.dma_semaphore, #tpu.memory_space<semaphore_mem>>) src(%dma_wait3A_36 : memref<128xi32, #tpu.memory_space<hbm>>) dst(%arg5 : memref<128xi32, #tpu.memory_space<vmem>>)
      tpu.yield
    }) : () -> ()
    %dma_start3A_19 = arith.constant 0 : i32
    %dma_start3A_20 = arith.constant 0 : i32
    %dma_start3A_21 = tpu.memref_slice %arg2[%dma_start3A_19, %dma_start3A_20] : memref<8192x256xf32, #tpu.memory_space<hbm>> -> memref<8192x256xf32, #tpu.memory_space<hbm>>
    tpu.enqueue_indirect_dma source(%dma_start3A_21 : memref<8192x256xf32, #tpu.memory_space<hbm>>) target(%arg6 : memref<128x256xf32, #tpu.memory_space<vmem>>) offsets(%arg5 : memref<128xi32, #tpu.memory_space<vmem>>) semaphore(%arg7 : memref<!tpu.dma_semaphore, #tpu.memory_space<semaphore_mem>>)
    %dma_wait3A_22 = arith.constant 0 : i32
    %dma_wait3A_23 = arith.constant 0 : i32
    %dma_wait3A_24 = tpu.memref_slice %arg2[%dma_wait3A_22, %dma_wait3A_23] : memref<8192x256xf32, #tpu.memory_space<hbm>> -> memref<8192x256xf32, #tpu.memory_space<hbm>>
    tpu.wait_indirect_dma semaphore(%arg7 : memref<!tpu.dma_semaphore, #tpu.memory_space<semaphore_mem>>) src(%dma_wait3A_24 : memref<8192x256xf32, #tpu.memory_space<hbm>>) dst(%arg6 : memref<128x256xf32, #tpu.memory_space<vmem>>)
    "tpu.region"() ({
      %run_scoped3A = tpu.sem_alloc : memref<!tpu.dma_semaphore, #tpu.memory_space<semaphore_mem>>
      %dma_start3A_33 = arith.constant 0 : i32
      %dma_start3A_34 = tpu.memref_slice %arg4[%add3A_18, %dma_start3A_33] : memref<16384x256xf32, #tpu.memory_space<hbm>> -> memref<128x256xf32, #tpu.memory_space<hbm>>
      %dma_start3A_35 = arith.constant 0 : i32
      %dma_start3A_36 = tpu.memref_slice %arg4[%add3A_18, %dma_start3A_35] : memref<16384x256xf32, #tpu.memory_space<hbm>> -> memref<128x256xf32, #tpu.memory_space<hbm>>
      tpu.enqueue_dma source(%arg6 : memref<128x256xf32, #tpu.memory_space<vmem>>) target(%dma_start3A_36 : memref<128x256xf32, #tpu.memory_space<hbm>>) target_semaphore(%run_scoped3A : memref<!tpu.dma_semaphore, #tpu.memory_space<semaphore_mem>>)
      %dma_wait3A_37 = arith.constant 0 : i32
      %dma_wait3A_38 = tpu.memref_slice %arg4[%add3A_18, %dma_wait3A_37] : memref<16384x256xf32, #tpu.memory_space<hbm>> -> memref<128x256xf32, #tpu.memory_space<hbm>>
      %dma_wait3A_39 = arith.constant 0 : i32
      %dma_wait3A_40 = tpu.memref_slice %arg4[%add3A_18, %dma_wait3A_39] : memref<16384x256xf32, #tpu.memory_space<hbm>> -> memref<128x256xf32, #tpu.memory_space<hbm>>
      tpu.wait_dma2 semaphore(%run_scoped3A : memref<!tpu.dma_semaphore, #tpu.memory_space<semaphore_mem>>) src(%arg6 : memref<128x256xf32, #tpu.memory_space<vmem>>) dst(%dma_wait3A_40 : memref<128x256xf32, #tpu.memory_space<hbm>>)
      tpu.yield
    }) : () -> ()
    %add3A_25 = arith.constant 384 : i32
    %add3A_26 = arith.addi %mul3A_2, %add3A_25 : i32
    "tpu.region"() ({
      %run_scoped3A = tpu.sem_alloc : memref<!tpu.dma_semaphore, #tpu.memory_space<semaphore_mem>>
      %dma_start3A_33 = tpu.memref_slice %arg3[%add3A_26] : memref<16384xi32, #tpu.memory_space<hbm>> -> memref<128xi32, #tpu.memory_space<hbm>>
      %dma_start3A_34 = tpu.memref_slice %arg3[%add3A_26] : memref<16384xi32, #tpu.memory_space<hbm>> -> memref<128xi32, #tpu.memory_space<hbm>>
      tpu.enqueue_dma source(%dma_start3A_34 : memref<128xi32, #tpu.memory_space<hbm>>) target(%arg5 : memref<128xi32, #tpu.memory_space<vmem>>) target_semaphore(%run_scoped3A : memref<!tpu.dma_semaphore, #tpu.memory_space<semaphore_mem>>)
      %dma_wait3A_35 = tpu.memref_slice %arg3[%add3A_26] : memref<16384xi32, #tpu.memory_space<hbm>> -> memref<128xi32, #tpu.memory_space<hbm>>
      %dma_wait3A_36 = tpu.memref_slice %arg3[%add3A_26] : memref<16384xi32, #tpu.memory_space<hbm>> -> memref<128xi32, #tpu.memory_space<hbm>>
      tpu.wait_dma2 semaphore(%run_scoped3A : memref<!tpu.dma_semaphore, #tpu.memory_space<semaphore_mem>>) src(%dma_wait3A_36 : memref<128xi32, #tpu.memory_space<hbm>>) dst(%arg5 : memref<128xi32, #tpu.memory_space<vmem>>)
      tpu.yield
    }) : () -> ()
    %dma_start3A_27 = arith.constant 0 : i32
    %dma_start3A_28 = arith.constant 0 : i32
    %dma_start3A_29 = tpu.memref_slice %arg2[%dma_start3A_27, %dma_start3A_28] : memref<8192x256xf32, #tpu.memory_space<hbm>> -> memref<8192x256xf32, #tpu.memory_space<hbm>>
    tpu.enqueue_indirect_dma source(%dma_start3A_29 : memref<8192x256xf32, #tpu.memory_space<hbm>>) target(%arg6 : memref<128x256xf32, #tpu.memory_space<vmem>>) offsets(%arg5 : memref<128xi32, #tpu.memory_space<vmem>>) semaphore(%arg7 : memref<!tpu.dma_semaphore, #tpu.memory_space<semaphore_mem>>)
    %dma_wait3A_30 = arith.constant 0 : i32
    %dma_wait3A_31 = arith.constant 0 : i32
    %dma_wait3A_32 = tpu.memref_slice %arg2[%dma_wait3A_30, %dma_wait3A_31] : memref<8192x256xf32, #tpu.memory_space<hbm>> -> memref<8192x256xf32, #tpu.memory_space<hbm>>
    tpu.wait_indirect_dma semaphore(%arg7 : memref<!tpu.dma_semaphore, #tpu.memory_space<semaphore_mem>>) src(%dma_wait3A_32 : memref<8192x256xf32, #tpu.memory_space<hbm>>) dst(%arg6 : memref<128x256xf32, #tpu.memory_space<vmem>>)
    "tpu.region"() ({
      %run_scoped3A = tpu.sem_alloc : memref<!tpu.dma_semaphore, #tpu.memory_space<semaphore_mem>>
      %dma_start3A_33 = arith.constant 0 : i32
      %dma_start3A_34 = tpu.memref_slice %arg4[%add3A_26, %dma_start3A_33] : memref<16384x256xf32, #tpu.memory_space<hbm>> -> memref<128x256xf32, #tpu.memory_space<hbm>>
      %dma_start3A_35 = arith.constant 0 : i32
      %dma_start3A_36 = tpu.memref_slice %arg4[%add3A_26, %dma_start3A_35] : memref<16384x256xf32, #tpu.memory_space<hbm>> -> memref<128x256xf32, #tpu.memory_space<hbm>>
      tpu.enqueue_dma source(%arg6 : memref<128x256xf32, #tpu.memory_space<vmem>>) target(%dma_start3A_36 : memref<128x256xf32, #tpu.memory_space<hbm>>) target_semaphore(%run_scoped3A : memref<!tpu.dma_semaphore, #tpu.memory_space<semaphore_mem>>)
      %dma_wait3A_37 = arith.constant 0 : i32
      %dma_wait3A_38 = tpu.memref_slice %arg4[%add3A_26, %dma_wait3A_37] : memref<16384x256xf32, #tpu.memory_space<hbm>> -> memref<128x256xf32, #tpu.memory_space<hbm>>
      %dma_wait3A_39 = arith.constant 0 : i32
      %dma_wait3A_40 = tpu.memref_slice %arg4[%add3A_26, %dma_wait3A_39] : memref<16384x256xf32, #tpu.memory_space<hbm>> -> memref<128x256xf32, #tpu.memory_space<hbm>>
      tpu.wait_dma2 semaphore(%run_scoped3A : memref<!tpu.dma_semaphore, #tpu.memory_space<semaphore_mem>>) src(%arg6 : memref<128x256xf32, #tpu.memory_space<vmem>>) dst(%dma_wait3A_40 : memref<128x256xf32, #tpu.memory_space<hbm>>)
      tpu.yield
    }) : () -> ()
    return
  }
}

module attributes {stable_mosaic.version = 14 : i64} {
  func.func @_vq_body(%arg0: i32, %arg1: memref<128x256xf32, #tpu.memory_space<vmem>>, %arg2: memref<8192x256xf32, #tpu.memory_space<vmem>>, %arg3: memref<1x8192xf32, #tpu.memory_space<vmem>>, %arg4: memref<1x8192xf32, #tpu.memory_space<vmem>>, %arg5: memref<1x8192xf32, #tpu.memory_space<vmem>>, %arg6: memref<1x1x128xi32, #tpu.memory_space<vmem>>, %arg7: memref<8xf32, #tpu.memory_space<smem>>, %arg8: memref<1x8192xf32, #tpu.memory_space<vmem>>, %arg9: memref<8xf32, #tpu.memory_space<smem>>, %arg10: memref<128x128xf32, #tpu.memory_space<vmem>>, %arg11: memref<128x128xf32, #tpu.memory_space<vmem>>, %arg12: memref<4x128xf32, #tpu.memory_space<vmem>>, %arg13: memref<4xf32, #tpu.memory_space<smem>>, %arg14: memref<1x8192xf32, #tpu.memory_space<vmem>>) attributes {dimension_semantics = [#tpu.dimension_semantics<arbitrary>], iteration_bounds = array<i64: 128>, scalar_prefetch = 0 : i64, scratch_operands = 7 : i64, tpu.core_type = #tpu.core_type<tc>, window_params = [{transform_indices = @transform_0, window_bounds = array<i64: 128, 256>}, {pipeline_mode = #tpu.pipeline_mode<synchronous>, transform_indices = @transform_1, window_bounds = array<i64: 8192, 256>}, {pipeline_mode = #tpu.pipeline_mode<synchronous>, transform_indices = @transform_2, window_bounds = array<i64: 1, 8192>}, {pipeline_mode = #tpu.pipeline_mode<synchronous>, transform_indices = @transform_3, window_bounds = array<i64: 1, 8192>}, {pipeline_mode = #tpu.pipeline_mode<synchronous>, transform_indices = @transform_4, window_bounds = array<i64: 1, 8192>}, {transform_indices = @transform_5, window_bounds = array<i64: 1, 1, 128>}, {transform_indices = @transform_6, window_bounds = array<i64: 8>}]} {
    %eq3A = arith.constant 0 : i32
    %eq3A_0 = arith.cmpi eq, %arg0, %eq3A : i32
    %convert_element_type3A = arith.extui %eq3A_0 : i1 to i32
    %cond3A = arith.constant 0 : i32
    %cond3A_1 = arith.cmpi ne, %convert_element_type3A, %cond3A : i32
    scf.if %cond3A_1 {
      %broadcast_in_dim3A_233 = arith.constant 0.000000e+00 : f32
      %broadcast_in_dim3A_234 = vector.broadcast %broadcast_in_dim3A_233 : f32 to vector<1x8192xf32>
      %swap3A_235 = arith.constant 0 : index
      %swap3A_236 = arith.constant 0 : index
      %swap3A_237 = vector.load %arg8[%swap3A_235, %swap3A_236] : memref<1x8192xf32, #tpu.memory_space<vmem>>, vector<1x8192xf32>
      tpu.vector_store %arg8[%swap3A_235, %swap3A_236], %broadcast_in_dim3A_234 {strides = array<i32>} : memref<1x8192xf32, #tpu.memory_space<vmem>>, vector<1x8192xf32>,
      %swap3A_238 = arith.constant 0.000000e+00 : f32
      %swap3A_239 = arith.constant 0 : index
      %swap3A_240 = memref.load %arg9[%swap3A_239] : memref<8xf32, #tpu.memory_space<smem>>
      memref.store %swap3A_238, %arg9[%swap3A_239] : memref<8xf32, #tpu.memory_space<smem>>
      %swap3A_241 = arith.constant 0.000000e+00 : f32
      %swap3A_242 = arith.constant 1 : index
      %swap3A_243 = memref.load %arg9[%swap3A_242] : memref<8xf32, #tpu.memory_space<smem>>
      memref.store %swap3A_241, %arg9[%swap3A_242] : memref<8xf32, #tpu.memory_space<smem>>
      %swap3A_244 = arith.constant 0.000000e+00 : f32
      %swap3A_245 = arith.constant 2 : index
      %swap3A_246 = memref.load %arg9[%swap3A_245] : memref<8xf32, #tpu.memory_space<smem>>
      memref.store %swap3A_244, %arg9[%swap3A_245] : memref<8xf32, #tpu.memory_space<smem>>
      %swap3A_247 = arith.constant 0.000000e+00 : f32
      %swap3A_248 = arith.constant 3 : index
      %swap3A_249 = memref.load %arg9[%swap3A_248] : memref<8xf32, #tpu.memory_space<smem>>
      memref.store %swap3A_247, %arg9[%swap3A_248] : memref<8xf32, #tpu.memory_space<smem>>
      %get3A_250 = arith.constant 0 : index
      %get3A_251 = arith.constant 0 : index
      %get3A_252 = vector.load %arg2[%get3A_250, %get3A_251] : memref<8192x256xf32, #tpu.memory_space<vmem>>, vector<8192x128xf32>
      %get3A_253 = arith.constant 0 : index
      %get3A_254 = arith.constant 128 : index
      %get3A_255 = vector.load %arg2[%get3A_253, %get3A_254] : memref<8192x256xf32, #tpu.memory_space<vmem>>, vector<8192x128xf32>
      %iota3A = tpu.iota {dimensions = array<i32: 1>} : vector<1x8192xi32>
      %convert_element_type3A_256 = arith.sitofp %iota3A : vector<1x8192xi32> to vector<1x8192xf32>
      %swap3A_257 = arith.constant 0 : index
      %swap3A_258 = arith.constant 0 : index
      %swap3A_259 = vector.load %arg14[%swap3A_257, %swap3A_258] : memref<1x8192xf32, #tpu.memory_space<vmem>>, vector<1x8192xf32>
      tpu.vector_store %arg14[%swap3A_257, %swap3A_258], %convert_element_type3A_256 {strides = array<i32>} : memref<1x8192xf32, #tpu.memory_space<vmem>>, vector<1x8192xf32>,
      %dot_general3A_260 = arith.constant dense<0.000000e+00> : vector<128x128xf32>
      %dot_general3A_261 = tpu.matmul %get3A_252, %get3A_252, %dot_general3A_260 {dimension_numbers = #tpu.dot_dimension_numbers<[0], [0], [1], [1], [0, 1, 1, 1], [], []>, transpose_lhs_hint = false} : vector<8192x128xf32>, vector<8192x128xf32>, vector<128x128xf32> -> vector<128x128xf32>
      %swap3A_262 = arith.constant 0 : index
      %swap3A_263 = arith.constant 0 : index
      %swap3A_264 = vector.load %arg10[%swap3A_262, %swap3A_263] : memref<128x128xf32, #tpu.memory_space<vmem>>, vector<128x128xf32>
      tpu.vector_store %arg10[%swap3A_262, %swap3A_263], %dot_general3A_261 {strides = array<i32>} : memref<128x128xf32, #tpu.memory_space<vmem>>, vector<128x128xf32>,
      %dot_general3A_265 = arith.constant dense<0.000000e+00> : vector<128x128xf32>
      %dot_general3A_266 = tpu.matmul %get3A_255, %get3A_255, %dot_general3A_265 {dimension_numbers = #tpu.dot_dimension_numbers<[0], [0], [1], [1], [0, 1, 1, 1], [], []>, transpose_lhs_hint = false} : vector<8192x128xf32>, vector<8192x128xf32>, vector<128x128xf32> -> vector<128x128xf32>
      %swap3A_267 = arith.constant 0 : index
      %swap3A_268 = arith.constant 0 : index
      %swap3A_269 = vector.load %arg11[%swap3A_267, %swap3A_268] : memref<128x128xf32, #tpu.memory_space<vmem>>, vector<128x128xf32>
      tpu.vector_store %arg11[%swap3A_267, %swap3A_268], %dot_general3A_266 {strides = array<i32>} : memref<128x128xf32, #tpu.memory_space<vmem>>, vector<128x128xf32>,
      %broadcast_in_dim3A_270 = arith.constant 1.000000e+00 : f32
      %broadcast_in_dim3A_271 = vector.broadcast %broadcast_in_dim3A_270 : f32 to vector<1x8192xf32>
      %dot_general3A_272 = arith.constant dense<0.000000e+00> : vector<1x128xf32>
      %dot_general3A_273 = tpu.matmul %broadcast_in_dim3A_271, %get3A_252, %dot_general3A_272 {dimension_numbers = #tpu.dot_dimension_numbers<[1], [0], [0], [1], [0, 0, 1, 1], [], []>, transpose_lhs_hint = false} : vector<1x8192xf32>, vector<8192x128xf32>, vector<1x128xf32> -> vector<1x128xf32>
      %swap3A_274 = arith.constant 0 : index
      %swap3A_275 = arith.constant 0 : index
      %swap3A_276 = vector.load %arg12[%swap3A_274, %swap3A_275] : memref<4x128xf32, #tpu.memory_space<vmem>>, vector<1x128xf32>
      tpu.vector_store %arg12[%swap3A_274, %swap3A_275], %dot_general3A_273 {strides = array<i32>} : memref<4x128xf32, #tpu.memory_space<vmem>>, vector<1x128xf32>,
      %get3A_277 = arith.constant 0 : index
      %get3A_278 = arith.constant 0 : index
      %get3A_279 = vector.load %arg3[%get3A_277, %get3A_278] : memref<1x8192xf32, #tpu.memory_space<vmem>>, vector<1x8192xf32>
      %dot_general3A_280 = arith.constant dense<0.000000e+00> : vector<1x128xf32>
      %dot_general3A_281 = tpu.matmul %get3A_279, %get3A_252, %dot_general3A_280 {dimension_numbers = #tpu.dot_dimension_numbers<[1], [0], [0], [1], [0, 0, 1, 1], [], []>, transpose_lhs_hint = false} : vector<1x8192xf32>, vector<8192x128xf32>, vector<1x128xf32> -> vector<1x128xf32>
      %swap3A_282 = arith.constant 1 : index
      %swap3A_283 = arith.constant 0 : index
      %swap3A_284 = vector.load %arg12[%swap3A_282, %swap3A_283] : memref<4x128xf32, #tpu.memory_space<vmem>>, vector<1x128xf32>
      tpu.vector_store %arg12[%swap3A_282, %swap3A_283], %dot_general3A_281 {strides = array<i32>} : memref<4x128xf32, #tpu.memory_space<vmem>>, vector<1x128xf32>,
      %dot_general3A_285 = arith.constant dense<0.000000e+00> : vector<1x128xf32>
      %dot_general3A_286 = tpu.matmul %broadcast_in_dim3A_271, %get3A_255, %dot_general3A_285 {dimension_numbers = #tpu.dot_dimension_numbers<[1], [0], [0], [1], [0, 0, 1, 1], [], []>, transpose_lhs_hint = false} : vector<1x8192xf32>, vector<8192x128xf32>, vector<1x128xf32> -> vector<1x128xf32>
      %swap3A_287 = arith.constant 2 : index
      %swap3A_288 = arith.constant 0 : index
      %swap3A_289 = vector.load %arg12[%swap3A_287, %swap3A_288] : memref<4x128xf32, #tpu.memory_space<vmem>>, vector<1x128xf32>
      tpu.vector_store %arg12[%swap3A_287, %swap3A_288], %dot_general3A_286 {strides = array<i32>} : memref<4x128xf32, #tpu.memory_space<vmem>>, vector<1x128xf32>,
      %get3A_290 = arith.constant 0 : index
      %get3A_291 = arith.constant 0 : index
      %get3A_292 = vector.load %arg4[%get3A_290, %get3A_291] : memref<1x8192xf32, #tpu.memory_space<vmem>>, vector<1x8192xf32>
      %dot_general3A_293 = arith.constant dense<0.000000e+00> : vector<1x128xf32>
      %dot_general3A_294 = tpu.matmul %get3A_292, %get3A_255, %dot_general3A_293 {dimension_numbers = #tpu.dot_dimension_numbers<[1], [0], [0], [1], [0, 0, 1, 1], [], []>, transpose_lhs_hint = false} : vector<1x8192xf32>, vector<8192x128xf32>, vector<1x128xf32> -> vector<1x128xf32>
      %swap3A_295 = arith.constant 3 : index
      %swap3A_296 = arith.constant 0 : index
      %swap3A_297 = vector.load %arg12[%swap3A_295, %swap3A_296] : memref<4x128xf32, #tpu.memory_space<vmem>>, vector<1x128xf32>
      tpu.vector_store %arg12[%swap3A_295, %swap3A_296], %dot_general3A_294 {strides = array<i32>} : memref<4x128xf32, #tpu.memory_space<vmem>>, vector<1x128xf32>,
      %get3A_298 = arith.constant 0 : index
      %get3A_299 = arith.constant 0 : index
      %get3A_300 = vector.load %arg3[%get3A_298, %get3A_299] : memref<1x8192xf32, #tpu.memory_space<vmem>>, vector<1x8192xf32>
      %get3A_301 = arith.constant 0 : index
      %get3A_302 = arith.constant 0 : index
      %get3A_303 = vector.load %arg4[%get3A_301, %get3A_302] : memref<1x8192xf32, #tpu.memory_space<vmem>>, vector<1x8192xf32>
      %reduce_sum3A_304 = vector.shape_cast %get3A_300 : vector<1x8192xf32> to vector<1x1x8192xf32>
      %reduce_sum3A_305 = arith.constant dense<0.000000e+00> : vector<1xf32>
      %reduce_sum3A_306 = vector.multi_reduction <add>, %reduce_sum3A_304, %reduce_sum3A_305 [1, 2] : vector<1x1x8192xf32> to vector<1xf32>
      %reduce_sum3A_307 = vector.shape_cast %reduce_sum3A_306 : vector<1xf32> to vector<1x1x1xf32>
      %reduce_sum3A_308 = vector.extract %reduce_sum3A_307[0, 0, 0] : f32 from vector<1x1x1xf32>
      %swap3A_309 = arith.constant 0 : index
      %swap3A_310 = memref.load %arg13[%swap3A_309] : memref<4xf32, #tpu.memory_space<smem>>
      memref.store %reduce_sum3A_308, %arg13[%swap3A_309] : memref<4xf32, #tpu.memory_space<smem>>
      %mul3A_311 = arith.mulf %get3A_300, %get3A_300 : vector<1x8192xf32>
      %reduce_sum3A_312 = vector.shape_cast %mul3A_311 : vector<1x8192xf32> to vector<1x1x8192xf32>
      %reduce_sum3A_313 = arith.constant dense<0.000000e+00> : vector<1xf32>
      %reduce_sum3A_314 = vector.multi_reduction <add>, %reduce_sum3A_312, %reduce_sum3A_313 [1, 2] : vector<1x1x8192xf32> to vector<1xf32>
      %reduce_sum3A_315 = vector.shape_cast %reduce_sum3A_314 : vector<1xf32> to vector<1x1x1xf32>
      %reduce_sum3A_316 = vector.extract %reduce_sum3A_315[0, 0, 0] : f32 from vector<1x1x1xf32>
      %swap3A_317 = arith.constant 1 : index
      %swap3A_318 = memref.load %arg13[%swap3A_317] : memref<4xf32, #tpu.memory_space<smem>>
      memref.store %reduce_sum3A_316, %arg13[%swap3A_317] : memref<4xf32, #tpu.memory_space<smem>>
      %reduce_sum3A_319 = vector.shape_cast %get3A_303 : vector<1x8192xf32> to vector<1x1x8192xf32>
      %reduce_sum3A_320 = arith.constant dense<0.000000e+00> : vector<1xf32>
      %reduce_sum3A_321 = vector.multi_reduction <add>, %reduce_sum3A_319, %reduce_sum3A_320 [1, 2] : vector<1x1x8192xf32> to vector<1xf32>
      %reduce_sum3A_322 = vector.shape_cast %reduce_sum3A_321 : vector<1xf32> to vector<1x1x1xf32>
      %reduce_sum3A_323 = vector.extract %reduce_sum3A_322[0, 0, 0] : f32 from vector<1x1x1xf32>
      %swap3A_324 = arith.constant 2 : index
      %swap3A_325 = memref.load %arg13[%swap3A_324] : memref<4xf32, #tpu.memory_space<smem>>
      memref.store %reduce_sum3A_323, %arg13[%swap3A_324] : memref<4xf32, #tpu.memory_space<smem>>
      %mul3A_326 = arith.mulf %get3A_303, %get3A_303 : vector<1x8192xf32>
      %reduce_sum3A_327 = vector.shape_cast %mul3A_326 : vector<1x8192xf32> to vector<1x1x8192xf32>
      %reduce_sum3A_328 = arith.constant dense<0.000000e+00> : vector<1xf32>
      %reduce_sum3A_329 = vector.multi_reduction <add>, %reduce_sum3A_327, %reduce_sum3A_328 [1, 2] : vector<1x1x8192xf32> to vector<1xf32>
      %reduce_sum3A_330 = vector.shape_cast %reduce_sum3A_329 : vector<1xf32> to vector<1x1x1xf32>
      %reduce_sum3A_331 = vector.extract %reduce_sum3A_330[0, 0, 0] : f32 from vector<1x1x1xf32>
      %swap3A_332 = arith.constant 3 : index
      %swap3A_333 = memref.load %arg13[%swap3A_332] : memref<4xf32, #tpu.memory_space<smem>>
      memref.store %reduce_sum3A_331, %arg13[%swap3A_332] : memref<4xf32, #tpu.memory_space<smem>>
    } else {
    }
    %get3A = arith.constant 0 : index
    %get3A_2 = arith.constant 0 : index
    %get3A_3 = vector.load %arg1[%get3A, %get3A_2] : memref<128x256xf32, #tpu.memory_space<vmem>>, vector<128x256xf32>
    %slice3A = vector.extract_strided_slice %get3A_3 {offsets = [0, 0], sizes = [128, 128], strides = [1, 1]} : vector<128x256xf32> to vector<128x128xf32>
    %slice3A_4 = vector.extract_strided_slice %get3A_3 {offsets = [0, 128], sizes = [128, 128], strides = [1, 1]} : vector<128x256xf32> to vector<128x128xf32>
    %mul3A = arith.mulf %slice3A, %slice3A : vector<128x128xf32>
    %reduce_sum3A = arith.constant dense<0.000000e+00> : vector<128xf32>
    %reduce_sum3A_5 = vector.multi_reduction <add>, %mul3A, %reduce_sum3A [1] : vector<128x128xf32> to vector<128xf32>
    %broadcast_in_dim3A = vector.shape_cast %reduce_sum3A_5 : vector<128xf32> to vector<128x1xf32>
    %sqrt3A = math.sqrt %broadcast_in_dim3A : vector<128x1xf32>
    %jit3A = arith.constant 9.99999996E-13 : f32
    %max3A = vector.broadcast %jit3A : f32 to vector<128x1xf32>
    %max3A_6 = arith.maximumf %max3A, %sqrt3A : vector<128x1xf32>
    %mul3A_7 = arith.mulf %slice3A_4, %slice3A_4 : vector<128x128xf32>
    %reduce_sum3A_8 = arith.constant dense<0.000000e+00> : vector<128xf32>
    %reduce_sum3A_9 = vector.multi_reduction <add>, %mul3A_7, %reduce_sum3A_8 [1] : vector<128x128xf32> to vector<128xf32>
    %broadcast_in_dim3A_10 = vector.shape_cast %reduce_sum3A_9 : vector<128xf32> to vector<128x1xf32>
    %sqrt3A_11 = math.sqrt %broadcast_in_dim3A_10 : vector<128x1xf32>
    %jit3A_12 = arith.constant 9.99999996E-13 : f32
    %max3A_13 = vector.broadcast %jit3A_12 : f32 to vector<128x1xf32>
    %max3A_14 = arith.maximumf %max3A_13, %sqrt3A_11 : vector<128x1xf32>
    %div3A = vector.broadcast %max3A_6 : vector<128x1xf32> to vector<128x128xf32>
    %div3A_15 = arith.divf %slice3A, %div3A : vector<128x128xf32>
    %div3A_16 = vector.broadcast %max3A_14 : vector<128x1xf32> to vector<128x128xf32>
    %div3A_17 = arith.divf %slice3A_4, %div3A_16 : vector<128x128xf32>
    %concatenate3A = tpu.concatenate %div3A_15, %div3A_17 in 1 : vector<128x128xf32>, vector<128x128xf32> -> vector<128x256xf32>
    %mul3A_18 = arith.mulf %div3A_15, %div3A_15 : vector<128x128xf32>
    %reduce_sum3A_19 = arith.constant dense<0.000000e+00> : vector<128xf32>
    %reduce_sum3A_20 = vector.multi_reduction <add>, %mul3A_18, %reduce_sum3A_19 [1] : vector<128x128xf32> to vector<128xf32>
    %broadcast_in_dim3A_21 = vector.shape_cast %reduce_sum3A_20 : vector<128xf32> to vector<128x1xf32>
    %mul3A_22 = arith.mulf %div3A_17, %div3A_17 : vector<128x128xf32>
    %reduce_sum3A_23 = arith.constant dense<0.000000e+00> : vector<128xf32>
    %reduce_sum3A_24 = vector.multi_reduction <add>, %mul3A_22, %reduce_sum3A_23 [1] : vector<128x128xf32> to vector<128xf32>
    %broadcast_in_dim3A_25 = vector.shape_cast %reduce_sum3A_24 : vector<128xf32> to vector<128x1xf32>
    %add3A = arith.addf %broadcast_in_dim3A_21, %broadcast_in_dim3A_25 : vector<128x1xf32>
    %get3A_26 = arith.constant 0 : index
    %get3A_27 = arith.constant 0 : index
    %get3A_28 = vector.load %arg2[%get3A_26, %get3A_27] : memref<8192x256xf32, #tpu.memory_space<vmem>>, vector<8192x256xf32>
    %dot_general3A = arith.constant dense<0.000000e+00> : vector<128x8192xf32>
    %dot_general3A_29 = tpu.matmul %concatenate3A, %get3A_28, %dot_general3A {dimension_numbers = #tpu.dot_dimension_numbers<[1], [1], [0], [0], [0, 0, 1, 0], [], []>, transpose_lhs_hint = false} : vector<128x256xf32>, vector<8192x256xf32>, vector<128x8192xf32> -> vector<128x8192xf32>
    %get3A_30 = arith.constant 0 : index
    %get3A_31 = arith.constant 0 : index
    %get3A_32 = vector.load %arg5[%get3A_30, %get3A_31] : memref<1x8192xf32, #tpu.memory_space<vmem>>, vector<1x8192xf32>
    %add3A_33 = vector.broadcast %add3A : vector<128x1xf32> to vector<128x8192xf32>
    %add3A_34 = vector.broadcast %get3A_32 : vector<1x8192xf32> to vector<128x8192xf32>
    %add3A_35 = arith.addf %add3A_33, %add3A_34 : vector<128x8192xf32>
    %add3A_36 = arith.addf %add3A_35, %dot_general3A_29 : vector<128x8192xf32>
    %get3A_37 = arith.constant 0 : index
    %get3A_38 = arith.constant 0 : index
    %get3A_39 = vector.load %arg12[%get3A_37, %get3A_38] : memref<4x128xf32, #tpu.memory_space<vmem>>, vector<2x128xf32>
    %dot_general3A_40 = arith.constant dense<0.000000e+00> : vector<128x2xf32>
    %dot_general3A_41 = tpu.matmul %div3A_15, %get3A_39, %dot_general3A_40 {dimension_numbers = #tpu.dot_dimension_numbers<[1], [1], [0], [0], [0, 0, 1, 0], [], []>, transpose_lhs_hint = false} : vector<128x128xf32>, vector<2x128xf32>, vector<128x2xf32> -> vector<128x2xf32>
    %get3A_42 = arith.constant 2 : index
    %get3A_43 = arith.constant 0 : index
    %get3A_44 = vector.load %arg12[%get3A_42, %get3A_43] : memref<4x128xf32, #tpu.memory_space<vmem>>, vector<2x128xf32>
    %dot_general3A_45 = arith.constant dense<0.000000e+00> : vector<128x2xf32>
    %dot_general3A_46 = tpu.matmul %div3A_17, %get3A_44, %dot_general3A_45 {dimension_numbers = #tpu.dot_dimension_numbers<[1], [1], [0], [0], [0, 0, 1, 0], [], []>, transpose_lhs_hint = false} : vector<128x128xf32>, vector<2x128xf32>, vector<128x2xf32> -> vector<128x2xf32>
    %get3A_47 = arith.constant 0 : index
    %get3A_48 = arith.constant 0 : index
    %get3A_49 = vector.load %arg10[%get3A_47, %get3A_48] : memref<128x128xf32, #tpu.memory_space<vmem>>, vector<128x128xf32>
    %dot_general3A_50 = arith.constant dense<0.000000e+00> : vector<128x128xf32>
    %dot_general3A_51 = tpu.matmul %div3A_15, %get3A_49, %dot_general3A_50 {dimension_numbers = #tpu.dot_dimension_numbers<[1], [0], [0], [1], [0, 0, 1, 1], [], []>, transpose_lhs_hint = false} : vector<128x128xf32>, vector<128x128xf32>, vector<128x128xf32> -> vector<128x128xf32>
    %get3A_52 = arith.constant 0 : index
    %get3A_53 = arith.constant 0 : index
    %get3A_54 = vector.load %arg11[%get3A_52, %get3A_53] : memref<128x128xf32, #tpu.memory_space<vmem>>, vector<128x128xf32>
    %dot_general3A_55 = arith.constant dense<0.000000e+00> : vector<128x128xf32>
    %dot_general3A_56 = tpu.matmul %div3A_17, %get3A_54, %dot_general3A_55 {dimension_numbers = #tpu.dot_dimension_numbers<[1], [0], [0], [1], [0, 0, 1, 1], [], []>, transpose_lhs_hint = false} : vector<128x128xf32>, vector<128x128xf32>, vector<128x128xf32> -> vector<128x128xf32>
    %slice3A_57 = vector.extract_strided_slice %dot_general3A_41 {offsets = [0, 0], sizes = [128, 1], strides = [1, 1]} : vector<128x2xf32> to vector<128x1xf32>
    %mul3A_58 = arith.mulf %broadcast_in_dim3A_21, %slice3A_57 : vector<128x1xf32>
    %reduce_sum3A_59 = vector.shape_cast %mul3A_58 : vector<128x1xf32> to vector<1x128x1xf32>
    %reduce_sum3A_60 = arith.constant dense<0.000000e+00> : vector<1xf32>
    %reduce_sum3A_61 = vector.multi_reduction <add>, %reduce_sum3A_59, %reduce_sum3A_60 [1, 2] : vector<1x128x1xf32> to vector<1xf32>
    %reduce_sum3A_62 = vector.shape_cast %reduce_sum3A_61 : vector<1xf32> to vector<1x1x1xf32>
    %reduce_sum3A_63 = vector.extract %reduce_sum3A_62[0, 0, 0] : f32 from vector<1x1x1xf32>
    %slice3A_64 = vector.extract_strided_slice %dot_general3A_41 {offsets = [0, 1], sizes = [128, 1], strides = [1, 1]} : vector<128x2xf32> to vector<128x1xf32>
    %reduce_sum3A_65 = vector.shape_cast %slice3A_64 : vector<128x1xf32> to vector<1x128x1xf32>
    %reduce_sum3A_66 = arith.constant dense<0.000000e+00> : vector<1xf32>
    %reduce_sum3A_67 = vector.multi_reduction <add>, %reduce_sum3A_65, %reduce_sum3A_66 [1, 2] : vector<1x128x1xf32> to vector<1xf32>
    %reduce_sum3A_68 = vector.shape_cast %reduce_sum3A_67 : vector<1xf32> to vector<1x1x1xf32>
    %reduce_sum3A_69 = vector.extract %reduce_sum3A_68[0, 0, 0] : f32 from vector<1x1x1xf32>
    %add3A_70 = arith.addf %reduce_sum3A_63, %reduce_sum3A_69 : f32
    %slice3A_71 = vector.extract_strided_slice %dot_general3A_46 {offsets = [0, 0], sizes = [128, 1], strides = [1, 1]} : vector<128x2xf32> to vector<128x1xf32>
    %mul3A_72 = arith.mulf %broadcast_in_dim3A_25, %slice3A_71 : vector<128x1xf32>
    %reduce_sum3A_73 = vector.shape_cast %mul3A_72 : vector<128x1xf32> to vector<1x128x1xf32>
    %reduce_sum3A_74 = arith.constant dense<0.000000e+00> : vector<1xf32>
    %reduce_sum3A_75 = vector.multi_reduction <add>, %reduce_sum3A_73, %reduce_sum3A_74 [1, 2] : vector<1x128x1xf32> to vector<1xf32>
    %reduce_sum3A_76 = vector.shape_cast %reduce_sum3A_75 : vector<1xf32> to vector<1x1x1xf32>
    %reduce_sum3A_77 = vector.extract %reduce_sum3A_76[0, 0, 0] : f32 from vector<1x1x1xf32>
    %slice3A_78 = vector.extract_strided_slice %dot_general3A_46 {offsets = [0, 1], sizes = [128, 1], strides = [1, 1]} : vector<128x2xf32> to vector<128x1xf32>
    %reduce_sum3A_79 = vector.shape_cast %slice3A_78 : vector<128x1xf32> to vector<1x128x1xf32>
    %reduce_sum3A_80 = arith.constant dense<0.000000e+00> : vector<1xf32>
    %reduce_sum3A_81 = vector.multi_reduction <add>, %reduce_sum3A_79, %reduce_sum3A_80 [1, 2] : vector<1x128x1xf32> to vector<1xf32>
    %reduce_sum3A_82 = vector.shape_cast %reduce_sum3A_81 : vector<1xf32> to vector<1x1x1xf32>
    %reduce_sum3A_83 = vector.extract %reduce_sum3A_82[0, 0, 0] : f32 from vector<1x1x1xf32>
    %add3A_84 = arith.addf %reduce_sum3A_77, %reduce_sum3A_83 : f32
    %mul3A_85 = arith.mulf %dot_general3A_51, %div3A_15 : vector<128x128xf32>
    %reduce_sum3A_86 = vector.shape_cast %mul3A_85 : vector<128x128xf32> to vector<1x128x128xf32>
    %reduce_sum3A_87 = arith.constant dense<0.000000e+00> : vector<1xf32>
    %reduce_sum3A_88 = vector.multi_reduction <add>, %reduce_sum3A_86, %reduce_sum3A_87 [1, 2] : vector<1x128x128xf32> to vector<1xf32>
    %reduce_sum3A_89 = vector.shape_cast %reduce_sum3A_88 : vector<1xf32> to vector<1x1x1xf32>
    %reduce_sum3A_90 = vector.extract %reduce_sum3A_89[0, 0, 0] : f32 from vector<1x1x1xf32>
    %mul3A_91 = arith.mulf %dot_general3A_56, %div3A_17 : vector<128x128xf32>
    %reduce_sum3A_92 = vector.shape_cast %mul3A_91 : vector<128x128xf32> to vector<1x128x128xf32>
    %reduce_sum3A_93 = arith.constant dense<0.000000e+00> : vector<1xf32>
    %reduce_sum3A_94 = vector.multi_reduction <add>, %reduce_sum3A_92, %reduce_sum3A_93 [1, 2] : vector<1x128x128xf32> to vector<1xf32>
    %reduce_sum3A_95 = vector.shape_cast %reduce_sum3A_94 : vector<1xf32> to vector<1x1x1xf32>
    %reduce_sum3A_96 = vector.extract %reduce_sum3A_95[0, 0, 0] : f32 from vector<1x1x1xf32>
    %mul3A_97 = arith.mulf %broadcast_in_dim3A_21, %broadcast_in_dim3A_21 : vector<128x1xf32>
    %reduce_sum3A_98 = vector.shape_cast %mul3A_97 : vector<128x1xf32> to vector<1x128x1xf32>
    %reduce_sum3A_99 = arith.constant dense<0.000000e+00> : vector<1xf32>
    %reduce_sum3A_100 = vector.multi_reduction <add>, %reduce_sum3A_98, %reduce_sum3A_99 [1, 2] : vector<1x128x1xf32> to vector<1xf32>
    %reduce_sum3A_101 = vector.shape_cast %reduce_sum3A_100 : vector<1xf32> to vector<1x1x1xf32>
    %reduce_sum3A_102 = vector.extract %reduce_sum3A_101[0, 0, 0] : f32 from vector<1x1x1xf32>
    %mul3A_103 = arith.constant 8.192000e+03 : f32
    %mul3A_104 = arith.mulf %mul3A_103, %reduce_sum3A_102 : f32
    %get3A_105 = arith.constant 1 : index
    %get3A_106 = memref.load %arg13[%get3A_105] : memref<4xf32, #tpu.memory_space<smem>>
    %mul3A_107 = arith.constant 1.280000e+02 : f32
    %mul3A_108 = arith.mulf %mul3A_107, %get3A_106 : f32
    %add3A_109 = arith.addf %mul3A_104, %mul3A_108 : f32
    %reduce_sum3A_110 = vector.shape_cast %broadcast_in_dim3A_21 : vector<128x1xf32> to vector<1x128x1xf32>
    %reduce_sum3A_111 = arith.constant dense<0.000000e+00> : vector<1xf32>
    %reduce_sum3A_112 = vector.multi_reduction <add>, %reduce_sum3A_110, %reduce_sum3A_111 [1, 2] : vector<1x128x1xf32> to vector<1xf32>
    %reduce_sum3A_113 = vector.shape_cast %reduce_sum3A_112 : vector<1xf32> to vector<1x1x1xf32>
    %reduce_sum3A_114 = vector.extract %reduce_sum3A_113[0, 0, 0] : f32 from vector<1x1x1xf32>
    %mul3A_115 = arith.constant 2.000000e+00 : f32
    %mul3A_116 = arith.mulf %mul3A_115, %reduce_sum3A_114 : f32
    %get3A_117 = arith.constant 0 : index
    %get3A_118 = memref.load %arg13[%get3A_117] : memref<4xf32, #tpu.memory_space<smem>>
    %mul3A_119 = arith.mulf %mul3A_116, %get3A_118 : f32
    %add3A_120 = arith.addf %add3A_109, %mul3A_119 : f32
    %mul3A_121 = arith.constant 2.000000e+00 : f32
    %mul3A_122 = arith.mulf %mul3A_121, %add3A_70 : f32
    %add3A_123 = arith.addf %add3A_120, %mul3A_122 : f32
    %add3A_124 = arith.addf %add3A_123, %reduce_sum3A_90 : f32
    %mul3A_125 = arith.mulf %broadcast_in_dim3A_25, %broadcast_in_dim3A_25 : vector<128x1xf32>
    %reduce_sum3A_126 = vector.shape_cast %mul3A_125 : vector<128x1xf32> to vector<1x128x1xf32>
    %reduce_sum3A_127 = arith.constant dense<0.000000e+00> : vector<1xf32>
    %reduce_sum3A_128 = vector.multi_reduction <add>, %reduce_sum3A_126, %reduce_sum3A_127 [1, 2] : vector<1x128x1xf32> to vector<1xf32>
    %reduce_sum3A_129 = vector.shape_cast %reduce_sum3A_128 : vector<1xf32> to vector<1x1x1xf32>
    %reduce_sum3A_130 = vector.extract %reduce_sum3A_129[0, 0, 0] : f32 from vector<1x1x1xf32>
    %mul3A_131 = arith.constant 8.192000e+03 : f32
    %mul3A_132 = arith.mulf %mul3A_131, %reduce_sum3A_130 : f32
    %get3A_133 = arith.constant 3 : index
    %get3A_134 = memref.load %arg13[%get3A_133] : memref<4xf32, #tpu.memory_space<smem>>
    %mul3A_135 = arith.constant 1.280000e+02 : f32
    %mul3A_136 = arith.mulf %mul3A_135, %get3A_134 : f32
    %add3A_137 = arith.addf %mul3A_132, %mul3A_136 : f32
    %reduce_sum3A_138 = vector.shape_cast %broadcast_in_dim3A_25 : vector<128x1xf32> to vector<1x128x1xf32>
    %reduce_sum3A_139 = arith.constant dense<0.000000e+00> : vector<1xf32>
    %reduce_sum3A_140 = vector.multi_reduction <add>, %reduce_sum3A_138, %reduce_sum3A_139 [1, 2] : vector<1x128x1xf32> to vector<1xf32>
    %reduce_sum3A_141 = vector.shape_cast %reduce_sum3A_140 : vector<1xf32> to vector<1x1x1xf32>
    %reduce_sum3A_142 = vector.extract %reduce_sum3A_141[0, 0, 0] : f32 from vector<1x1x1xf32>
    %mul3A_143 = arith.constant 2.000000e+00 : f32
    %mul3A_144 = arith.mulf %mul3A_143, %reduce_sum3A_142 : f32
    %get3A_145 = arith.constant 2 : index
    %get3A_146 = memref.load %arg13[%get3A_145] : memref<4xf32, #tpu.memory_space<smem>>
    %mul3A_147 = arith.mulf %mul3A_144, %get3A_146 : f32
    %add3A_148 = arith.addf %add3A_137, %mul3A_147 : f32
    %mul3A_149 = arith.constant 2.000000e+00 : f32
    %mul3A_150 = arith.mulf %mul3A_149, %add3A_84 : f32
    %add3A_151 = arith.addf %add3A_148, %mul3A_150 : f32
    %add3A_152 = arith.addf %add3A_151, %reduce_sum3A_96 : f32
    %reduce_min3A = arith.constant dense<0x7F800000> : vector<128xf32>
    %reduce_min3A_153 = vector.multi_reduction <minimumf>, %add3A_36, %reduce_min3A [1] : vector<128x8192xf32> to vector<128xf32>
    %broadcast_in_dim3A_154 = vector.shape_cast %reduce_min3A_153 : vector<128xf32> to vector<128x1xf32>
    %eq3A_155 = vector.broadcast %broadcast_in_dim3A_154 : vector<128x1xf32> to vector<128x8192xf32>
    %eq3A_156 = arith.cmpf oeq, %add3A_36, %eq3A_155 : vector<128x8192xf32>
    %get3A_157 = arith.constant 0 : index
    %get3A_158 = arith.constant 0 : index
    %get3A_159 = vector.load %arg14[%get3A_157, %get3A_158] : memref<1x8192xf32, #tpu.memory_space<vmem>>, vector<1x8192xf32>
    %jit3A_160 = arith.constant 8.192000e+03 : f32
    %broadcast_in_dim3A_161 = vector.shape_cast %get3A_159 : vector<1x8192xf32> to vector<1x8192xf32>
    %broadcast_in_dim3A_162 = vector.broadcast %broadcast_in_dim3A_161 : vector<1x8192xf32> to vector<128x8192xf32>
    %broadcast_in_dim3A_163 = vector.broadcast %jit3A_160 : f32 to vector<128x8192xf32>
    %select_n3A = arith.select %eq3A_156, %broadcast_in_dim3A_162, %broadcast_in_dim3A_163 : vector<128x8192xi1>, vector<128x8192xf32>
    %reduce_min3A_164 = arith.constant dense<0x7F800000> : vector<128xf32>
    %reduce_min3A_165 = vector.multi_reduction <minimumf>, %select_n3A, %reduce_min3A_164 [1] : vector<128x8192xf32> to vector<128xf32>
    %convert_element_type3A_166 = arith.fptosi %reduce_min3A_165 : vector<128xf32> to vector<128xi32>
    %reshape3A = vector.shape_cast %convert_element_type3A_166 : vector<128xi32> to vector<1x1x128xi32>
    %swap3A = arith.constant 0 : index
    %swap3A_167 = arith.constant 0 : index
    %swap3A_168 = arith.constant 0 : index
    %swap3A_169 = vector.load %arg6[%swap3A, %swap3A_167, %swap3A_168] : memref<1x1x128xi32, #tpu.memory_space<vmem>>, vector<1x1x128xi32>
    tpu.vector_store %arg6[%swap3A, %swap3A_167, %swap3A_168], %reshape3A {strides = array<i32>} : memref<1x1x128xi32, #tpu.memory_space<vmem>>, vector<1x1x128xi32>,
    %reduce_sum3A_170 = vector.shape_cast %broadcast_in_dim3A_154 : vector<128x1xf32> to vector<1x128x1xf32>
    %reduce_sum3A_171 = arith.constant dense<0.000000e+00> : vector<1xf32>
    %reduce_sum3A_172 = vector.multi_reduction <add>, %reduce_sum3A_170, %reduce_sum3A_171 [1, 2] : vector<1x128x1xf32> to vector<1xf32>
    %reduce_sum3A_173 = vector.shape_cast %reduce_sum3A_172 : vector<1xf32> to vector<1x1x1xf32>
    %reduce_sum3A_174 = vector.extract %reduce_sum3A_173[0, 0, 0] : f32 from vector<1x1x1xf32>
    %sub3A = vector.broadcast %broadcast_in_dim3A_154 : vector<128x1xf32> to vector<128x8192xf32>
    %sub3A_175 = arith.subf %sub3A, %add3A_36 : vector<128x8192xf32>
    %mul3A_176 = arith.constant 1.000000e+02 : f32
    %mul3A_177 = vector.broadcast %mul3A_176 : f32 to vector<128x8192xf32>
    %mul3A_178 = arith.mulf %sub3A_175, %mul3A_177 : vector<128x8192xf32>
    %exp3A = math.exp %mul3A_178 : vector<128x8192xf32>
    %reduce_sum3A_179 = arith.constant dense<0.000000e+00> : vector<128xf32>
    %reduce_sum3A_180 = vector.multi_reduction <add>, %exp3A, %reduce_sum3A_179 [1] : vector<128x8192xf32> to vector<128xf32>
    %broadcast_in_dim3A_181 = vector.shape_cast %reduce_sum3A_180 : vector<128xf32> to vector<128x1xf32>
    %mul3A_182 = arith.mulf %exp3A, %sub3A_175 : vector<128x8192xf32>
    %reduce_sum3A_183 = arith.constant dense<0.000000e+00> : vector<128xf32>
    %reduce_sum3A_184 = vector.multi_reduction <add>, %mul3A_182, %reduce_sum3A_183 [1] : vector<128x8192xf32> to vector<128xf32>
    %broadcast_in_dim3A_185 = vector.shape_cast %reduce_sum3A_184 : vector<128xf32> to vector<128x1xf32>
    %div3A_186 = arith.constant 1.000000e+00 : f32
    %div3A_187 = vector.broadcast %div3A_186 : f32 to vector<128x1xf32>
    %div3A_188 = arith.divf %div3A_187, %broadcast_in_dim3A_181 : vector<128x1xf32>
    %mul3A_189 = arith.mulf %broadcast_in_dim3A_185, %div3A_188 : vector<128x1xf32>
    %mul3A_190 = arith.constant 1.000000e+02 : f32
    %mul3A_191 = vector.broadcast %mul3A_190 : f32 to vector<128x1xf32>
    %mul3A_192 = arith.mulf %mul3A_189, %mul3A_191 : vector<128x1xf32>
    %log3A = math.log %broadcast_in_dim3A_181 : vector<128x1xf32>
    %sub3A_193 = arith.subf %mul3A_192, %log3A : vector<128x1xf32>
    %reduce_sum3A_194 = vector.shape_cast %sub3A_193 : vector<128x1xf32> to vector<1x128x1xf32>
    %reduce_sum3A_195 = arith.constant dense<0.000000e+00> : vector<1xf32>
    %reduce_sum3A_196 = vector.multi_reduction <add>, %reduce_sum3A_194, %reduce_sum3A_195 [1, 2] : vector<1x128x1xf32> to vector<1xf32>
    %reduce_sum3A_197 = vector.shape_cast %reduce_sum3A_196 : vector<1xf32> to vector<1x1x1xf32>
    %reduce_sum3A_198 = vector.extract %reduce_sum3A_197[0, 0, 0] : f32 from vector<1x1x1xf32>
    %get3A_199 = arith.constant 0 : index
    %get3A_200 = arith.constant 0 : index
    %get3A_201 = vector.load %arg8[%get3A_199, %get3A_200] : memref<1x8192xf32, #tpu.memory_space<vmem>>, vector<1x8192xf32>
    %dot_general3A_202 = arith.constant dense<0.000000e+00> : vector<1x8192xf32>
    %dot_general3A_203 = tpu.matmul %div3A_188, %exp3A, %dot_general3A_202 {dimension_numbers = #tpu.dot_dimension_numbers<[0], [0], [1], [1], [0, 1, 1, 1], [], []>, transpose_lhs_hint = false} : vector<128x1xf32>, vector<128x8192xf32>, vector<1x8192xf32> -> vector<1x8192xf32>
    %add3A_204 = arith.addf %get3A_201, %dot_general3A_203 : vector<1x8192xf32>
    %swap3A_205 = arith.constant 0 : index
    %swap3A_206 = arith.constant 0 : index
    %swap3A_207 = vector.load %arg8[%swap3A_205, %swap3A_206] : memref<1x8192xf32, #tpu.memory_space<vmem>>, vector<1x8192xf32>
    tpu.vector_store %arg8[%swap3A_205, %swap3A_206], %add3A_204 {strides = array<i32>} : memref<1x8192xf32, #tpu.memory_space<vmem>>, vector<1x8192xf32>,
    %get3A_208 = arith.constant 0 : index
    %get3A_209 = memref.load %arg9[%get3A_208] : memref<8xf32, #tpu.memory_space<smem>>
    %add3A_210 = arith.addf %get3A_209, %add3A_124 : f32
    %swap3A_211 = arith.constant 0 : index
    %swap3A_212 = memref.load %arg9[%swap3A_211] : memref<8xf32, #tpu.memory_space<smem>>
    memref.store %add3A_210, %arg9[%swap3A_211] : memref<8xf32, #tpu.memory_space<smem>>
    %get3A_213 = arith.constant 1 : index
    %get3A_214 = memref.load %arg9[%get3A_213] : memref<8xf32, #tpu.memory_space<smem>>
    %add3A_215 = arith.addf %get3A_214, %add3A_152 : f32
    %swap3A_216 = arith.constant 1 : index
    %swap3A_217 = memref.load %arg9[%swap3A_216] : memref<8xf32, #tpu.memory_space<smem>>
    memref.store %add3A_215, %arg9[%swap3A_216] : memref<8xf32, #tpu.memory_space<smem>>
    %get3A_218 = arith.constant 2 : index
    %get3A_219 = memref.load %arg9[%get3A_218] : memref<8xf32, #tpu.memory_space<smem>>
    %add3A_220 = arith.addf %get3A_219, %reduce_sum3A_174 : f32
    %swap3A_221 = arith.constant 2 : index
    %swap3A_222 = memref.load %arg9[%swap3A_221] : memref<8xf32, #tpu.memory_space<smem>>
    memref.store %add3A_220, %arg9[%swap3A_221] : memref<8xf32, #tpu.memory_space<smem>>
    %get3A_223 = arith.constant 3 : index
    %get3A_224 = memref.load %arg9[%get3A_223] : memref<8xf32, #tpu.memory_space<smem>>
    %add3A_225 = arith.addf %get3A_224, %reduce_sum3A_198 : f32
    %swap3A_226 = arith.constant 3 : index
    %swap3A_227 = memref.load %arg9[%swap3A_226] : memref<8xf32, #tpu.memory_space<smem>>
    memref.store %add3A_225, %arg9[%swap3A_226] : memref<8xf32, #tpu.memory_space<smem>>
    %eq3A_228 = arith.constant 127 : i32
    %eq3A_229 = arith.cmpi eq, %arg0, %eq3A_228 : i32
    %convert_element_type3A_230 = arith.extui %eq3A_229 : i1 to i32
    %cond3A_231 = arith.constant 0 : i32
    %cond3A_232 = arith.cmpi ne, %convert_element_type3A_230, %cond3A_231 : i32
    scf.if %cond3A_232 {
      %get3A_233 = arith.constant 0 : index
      %get3A_234 = arith.constant 0 : index
      %get3A_235 = vector.load %arg8[%get3A_233, %get3A_234] : memref<1x8192xf32, #tpu.memory_space<vmem>>, vector<1x8192xf32>
      %mul3A_236 = arith.constant 6.10351563E-5 : f32
      %mul3A_237 = vector.broadcast %mul3A_236 : f32 to vector<1x8192xf32>
      %mul3A_238 = arith.mulf %get3A_235, %mul3A_237 : vector<1x8192xf32>
      %add3A_239 = arith.constant 9.99999974E-6 : f32
      %add3A_240 = vector.broadcast %add3A_239 : f32 to vector<1x8192xf32>
      %add3A_241 = arith.addf %mul3A_238, %add3A_240 : vector<1x8192xf32>
      %log3A_242 = math.log %add3A_241 : vector<1x8192xf32>
      %mul3A_243 = arith.mulf %mul3A_238, %log3A_242 : vector<1x8192xf32>
      %reduce_sum3A_244 = vector.shape_cast %mul3A_243 : vector<1x8192xf32> to vector<1x1x8192xf32>
      %reduce_sum3A_245 = arith.constant dense<0.000000e+00> : vector<1xf32>
      %reduce_sum3A_246 = vector.multi_reduction <add>, %reduce_sum3A_244, %reduce_sum3A_245 [1, 2] : vector<1x1x8192xf32> to vector<1xf32>
      %reduce_sum3A_247 = vector.shape_cast %reduce_sum3A_246 : vector<1xf32> to vector<1x1x1xf32>
      %reduce_sum3A_248 = vector.extract %reduce_sum3A_247[0, 0, 0] : f32 from vector<1x1x1xf32>
      %neg3A = arith.constant 0.000000e+00 : f32
      %neg3A_249 = arith.subf %neg3A, %reduce_sum3A_248 : f32
      %get3A_250 = arith.constant 3 : index
      %get3A_251 = memref.load %arg9[%get3A_250] : memref<8xf32, #tpu.memory_space<smem>>
      %div3A_252 = arith.constant 1.638400e+04 : f32
      %div3A_253 = arith.divf %get3A_251, %div3A_252 : f32
      %neg3A_254 = arith.constant 0.000000e+00 : f32
      %neg3A_255 = arith.subf %neg3A_254, %div3A_253 : f32
      %get3A_256 = arith.constant 2 : index
      %get3A_257 = memref.load %arg9[%get3A_256] : memref<8xf32, #tpu.memory_space<smem>>
      %div3A_258 = arith.constant 0x4A800000 : f32
      %div3A_259 = arith.divf %get3A_257, %div3A_258 : f32
      %swap3A_260 = arith.constant 0 : index
      %swap3A_261 = memref.load %arg7[%swap3A_260] : memref<8xf32, #tpu.memory_space<smem>>
      memref.store %div3A_259, %arg7[%swap3A_260] : memref<8xf32, #tpu.memory_space<smem>>
      %mul3A_262 = arith.constant 2.500000e-01 : f32
      %mul3A_263 = arith.mulf %mul3A_262, %div3A_259 : f32
      %swap3A_264 = arith.constant 1 : index
      %swap3A_265 = memref.load %arg7[%swap3A_264] : memref<8xf32, #tpu.memory_space<smem>>
      memref.store %mul3A_263, %arg7[%swap3A_264] : memref<8xf32, #tpu.memory_space<smem>>
      %sub3A_266 = arith.subf %neg3A_255, %neg3A_249 : f32
      %mul3A_267 = arith.constant 1.000000e-01 : f32
      %mul3A_268 = arith.mulf %mul3A_267, %sub3A_266 : f32
      %swap3A_269 = arith.constant 2 : index
      %swap3A_270 = memref.load %arg7[%swap3A_269] : memref<8xf32, #tpu.memory_space<smem>>
      memref.store %mul3A_268, %arg7[%swap3A_269] : memref<8xf32, #tpu.memory_space<smem>>
      %get3A_271 = arith.constant 0 : index
      %get3A_272 = memref.load %arg9[%get3A_271] : memref<8xf32, #tpu.memory_space<smem>>
      %div3A_273 = arith.constant 1.638400e+04 : f32
      %div3A_274 = arith.divf %get3A_272, %div3A_273 : f32
      %swap3A_275 = arith.constant 3 : index
      %swap3A_276 = memref.load %arg7[%swap3A_275] : memref<8xf32, #tpu.memory_space<smem>>
      memref.store %div3A_274, %arg7[%swap3A_275] : memref<8xf32, #tpu.memory_space<smem>>
      %get3A_277 = arith.constant 1 : index
      %get3A_278 = memref.load %arg9[%get3A_277] : memref<8xf32, #tpu.memory_space<smem>>
      %div3A_279 = arith.constant 1.638400e+04 : f32
      %div3A_280 = arith.divf %get3A_278, %div3A_279 : f32
      %swap3A_281 = arith.constant 4 : index
      %swap3A_282 = memref.load %arg7[%swap3A_281] : memref<8xf32, #tpu.memory_space<smem>>
      memref.store %div3A_280, %arg7[%swap3A_281] : memref<8xf32, #tpu.memory_space<smem>>
    } else {
    }
    return
  }
  func.func @transform_0(%arg0: i32) -> (i32, i32) {
    %c0_i32 = arith.constant 0 : i32
    %c0_i32_0 = arith.constant 0 : i32
    return %arg0, %c0_i32 : i32, i32
  }
  func.func @transform_1(%arg0: i32) -> (i32, i32) {
    %c0_i32 = arith.constant 0 : i32
    %c0_i32_0 = arith.constant 0 : i32
    %c0_i32_1 = arith.constant 0 : i32
    return %c0_i32, %c0_i32_0 : i32, i32
  }
  func.func @transform_2(%arg0: i32) -> (i32, i32) {
    %c0_i32 = arith.constant 0 : i32
    %c0_i32_0 = arith.constant 0 : i32
    %c0_i32_1 = arith.constant 0 : i32
    return %c0_i32, %c0_i32_0 : i32, i32
  }
  func.func @transform_3(%arg0: i32) -> (i32, i32) {
    %c0_i32 = arith.constant 0 : i32
    %c0_i32_0 = arith.constant 0 : i32
    %c0_i32_1 = arith.constant 0 : i32
    return %c0_i32, %c0_i32_0 : i32, i32
  }
  func.func @transform_4(%arg0: i32) -> (i32, i32) {
    %c0_i32 = arith.constant 0 : i32
    %c0_i32_0 = arith.constant 0 : i32
    %c0_i32_1 = arith.constant 0 : i32
    return %c0_i32, %c0_i32_0 : i32, i32
  }
  func.func @transform_5(%arg0: i32) -> (i32, i32, i32) {
    %c0_i32 = arith.constant 0 : i32
    %c0_i32_0 = arith.constant 0 : i32
    %c0_i32_1 = arith.constant 0 : i32
    return %arg0, %c0_i32, %c0_i32_0 : i32, i32, i32
  }
  func.func @transform_6(%arg0: i32) -> i32 {
    %c0_i32 = arith.constant 0 : i32
    %c0_i32_0 = arith.constant 0 : i32
    return %c0_i32 : i32
  }
}

</mosaic_0001>

<sc_bundles>
// kernel: kernel.4.cloned.1.call-start
scs
__scs_entry_jumppad:
0x0: {  	(pc) =	sbr.rel $0x88, $3  }
0x1: {  	(tag) =	ssettag $0x0;
	lr =	simm.s32 $0x1  }
0x2: {  	[smem:$0x3F9E] =	sst lr;
	_ =	strace $0xD0000000  }
0x3: {  	_ = 	snop  }
0x4: {  	_ = 	snop  }
0x5: {  	_ = 	snop  }
0x6: {  	_ = 	snop  }
0x7: {  	_ = 	snop  }
__scs_overlays_trampoline_lowered:
0x8: {  	[smem:$0x3FAD] =	sst s0  }
0x9: {  	[smem:$0x3FAE] =	sst s1  }
0xa: {  	[smem:$0x3FAF] =	sst s2  }
0xb: {  	[smem:$0x3FB0] =	sst s3  }
0xc: {  	[smem:$0x3FB1] =	sst s4  }
0xd: {  	[smem:$0x3FB2] =	sst s5  }
0xe: {  	[smem:$0x3FB3] =	sst s6  }
0xf: {  	[smem:$0x3FB4] =	sst s7  }
0x10: {  	[smem:$0x3FB5] =	sst s8  }
0x11: {  	[smem:$0x3FB6] =	sst s9;
	s0 =	simm.s32 @!p0 $0x0  }
0x12: {  	s1 =	sld [smem:$0x3F9C];
	s0 =	simm.s32 @p0 $0x1  }
0x13: {  	[smem:$0x3FB7] =	sst s0;
	s0 =	simm.s32 @!p1 $0x0  }
0x14: {  	s2 =	sld [smem:$0x3F9B];
	s0 =	simm.s32 @p1 $0x1  }
0x15: {  	[smem:$0x3FB8] =	sst s0;
	s0 =	simm.s32 @!p2 $0x0  }
0x16: {  	s3 =	sld [smem:$0x3FDB];
	s0 =	simm.s32 @p2 $0x1  }
0x17: {  	s4 =	simm.s32 $0x1BF5;
	[smem:$0x3FBA] =	sst s0  }
0x18: {  	s0 =	sld [smem:$0x3F9D];
	_ =	swait.ge [sflag:s4], $0x0  }
0x19: {  	s7 =	sld [smem:$0x3F9E]  }
0x1a: {  	s8 =	sadd.s32 $0xFFFFE003, lr  }
0x1b: {  	s9 =	sadd.s32 $0xFFFFFEF7, lr;
	s5 =	simm.s32 $0xFFFFFFFF;
	p2 =	slt.u32 s8, $0xFFFFF086  }
0x1c: {  	p1 =	slt.u32 s9, $0xF7A;
	s5 =	simm.s32 @!p2 $0x0  }
0x1d: {  	s5 =	simm.s32 @p1 $0x1;
	p0 =	seq.s32 s7, s2  }
0x1e: {  	s7 =	smul.u32 @!p0 $0xF7A, s2;
	p2 =	seq.s32 @!p0 s5, $0x0  }
0x1f: {  	s9 =	smul.u32 $0xF7A, s1;
	s8 =	simm.s32 @!p0 $0x1BF5;
	p2 =	por !p2, p0  }
0x20: {  	[sflag:s8] =	ssyncset.s32 @!p0 $0xFFFFF086;
	s6 =	sadd.s32 @!p0 s3, s7;
	s7 =	simm.s32 @!p0 $0x108  }
0x21: {  	s3 =	sadd.s32 s3, s9;
	s6 =	sadd.s32 @!p0 $0x88, s6;
	s7 =	simm.s32 @p2 $0x1082  }
0x22: {  	[simem:s7], [sflag:s8] =	dma.local @!p0 [hbm:s6], $0xF7A  }
0x23: {  	s9 =	sor.u32 $0xD0000000, s2;
	s6 =	simm.s32 $0x108;
	_ =	swait.ge @!p0 [sflag:s8], $0x0  }
0x24: {  	s3 =	sadd.s32 $0x88, s3;
	s6 =	simm.s32 @!p1 $0x1082;
	[sflag:s4] =	ssyncset.s32 $0xFFFFF086  }
0x25: {  	[simem:s6], [sflag:s4] =	dma.local [hbm:s3], $0xF7A  }
0x26: {  	[smem:$0x3F9E] =	sst s1;
	(tag) =	ssettag s2;
	_ =	strace s9  }
0x27: {  	s1 =	sld [smem:$0x3FAE]  }
0x28: {  	s2 =	sld [smem:$0x3FAF]  }
0x29: {  	s4 =	sld [smem:$0x3FB1]  }
0x2a: {  	p0 =	seq.s32 s5, $0x0;
	s5 =	sld [smem:$0x3FB2]  }
0x2b: {  	s6 =	sld [smem:$0x3FB3]  }
0x2c: {  	s7 =	sld [smem:$0x3FB4]  }
0x2d: {  	s3 =	simm.s32 $0x108;
	s8 =	sld [smem:$0x3FB5]  }
0x2e: {  	s3 =	simm.s32 @!p0 $0x1082;
	s9 =	sld [smem:$0x3FB6]  }
0x2f: {  	lr =	sadd.s32 s0, s3;
	s0 =	sld [smem:$0x3FAD]  }
0x30: {  	s3 =	sld [smem:$0x3FB0]  }
0x31: {  	[smem:$0x3FB9] =	sst s10  }
0x32: {  	s10 =	sld [smem:$0x3FB7];
	_ =	sdelay $0x3  }
0x33: {  	p0 =	seq.s32 s10, $0x1;
	s10 =	sld [smem:$0x3FB9];
	_ =	sdelay $0x3  }
0x34: {  	[smem:$0x3FB9] =	sst s10  }
0x35: {  	s10 =	sld [smem:$0x3FB8];
	_ =	sdelay $0x3  }
0x36: {  	p1 =	seq.s32 s10, $0x1;
	s10 =	sld [smem:$0x3FB9];
	_ =	sdelay $0x3  }
0x37: {  	[smem:$0x3FB9] =	sst s10  }
0x38: {  	s10 =	sld [smem:$0x3FBA]  }
0x39: {  	_ = 	snop;
	(pc) =	sbr.ind lr, $3  }
0x3a: {  	_ = 	snop  }
0x3b: {  	_ = 	snop  }
0x3c: {  	p2 =	seq.s32 s10, $0x1;
	s10 =	sld [smem:$0x3FB9]  }
0x3d: {  	_ =	shalt  }
0x3e: {  	_ =	shalt  }
0x3f: {  	_ =	shalt  }
0x40: {  	_ =	shalt  }
0x41: {  	_ =	shalt  }
0x42: {  	_ =	shalt  }
0x43: {  	_ =	shalt  }
0x44: {  	_ =	shalt  }
0x45: {  	_ =	shalt  }
0x46: {  	_ =	shalt  }
0x47: {  	_ =	shalt  }
0x48: {  	_ =	shalt  }
0x49: {  	_ =	shalt  }
0x4a: {  	_ =	shalt  }
0x4b: {  	_ =	shalt  }
0x4c: {  	_ =	shalt  }
0x4d: {  	_ =	shalt  }
0x4e: {  	_ =	shalt  }
0x4f: {  	_ =	shalt  }
0x50: {  	_ =	shalt  }
0x51: {  	_ =	shalt  }
0x52: {  	_ =	shalt  }
0x53: {  	_ =	shalt  }
0x54: {  	_ =	shalt  }
0x55: {  	_ =	shalt  }
0x56: {  	_ =	shalt  }
0x57: {  	_ =	shalt  }
0x58: {  	_ =	shalt  }
0x59: {  	_ =	shalt  }
0x5a: {  	_ =	shalt  }
0x5b: {  	_ =	shalt  }
0x5c: {  	_ =	shalt  }
0x5d: {  	_ =	shalt  }
0x5e: {  	_ =	shalt  }
0x5f: {  	_ =	shalt  }
0x60: {  	_ =	shalt  }
0x61: {  	_ =	shalt  }
0x62: {  	_ =	shalt  }
0x63: {  	_ =	shalt  }
0x64: {  	_ =	shalt  }
0x65: {  	_ =	shalt  }
0x66: {  	_ =	shalt  }
0x67: {  	_ =	shalt  }
0x68: {  	_ =	shalt  }
0x69: {  	_ =	shalt  }
0x6a: {  	_ =	shalt  }
0x6b: {  	_ =	shalt  }
0x6c: {  	_ =	shalt  }
0x6d: {  	_ =	shalt  }
0x6e: {  	_ =	shalt  }
0x6f: {  	_ =	shalt  }
0x70: {  	_ =	shalt  }
0x71: {  	_ =	shalt  }
0x72: {  	_ =	shalt  }
0x73: {  	_ =	shalt  }
0x74: {  	_ =	shalt  }
0x75: {  	_ =	shalt  }
0x76: {  	_ =	shalt  }
0x77: {  	_ =	shalt  }
0x78: {  	_ =	shalt  }
0x79: {  	_ =	shalt  }
0x7a: {  	_ =	shalt  }
0x7b: {  	_ =	shalt  }
0x7c: {  	_ =	shalt  }
0x7d: {  	_ =	shalt  }
0x7e: {  	_ =	shalt  }
0x7f: {  	_ =	shalt  }
0x80: {  	_ =	shalt  }
0x81: {  	_ =	shalt  }
0x82: {  	_ =	shalt  }
0x83: {  	_ =	shalt  }
0x84: {  	_ =	shalt  }
0x85: {  	_ =	shalt  }
0x86: {  	_ =	shalt  }
0x87: {  	_ =	shalt  }
.Lfunc_end0:
.L_simem_size_0:
called_computation_lowered:
.L_overlay_start_0:
0x88: {  	s2 =	sld [smem:$0x3FD9]  }
0x89: {  	s3 =	sld [smem:$0x3FFE];
	_ =	sdelay $0x1  }
0x8a: {  	s1 =	srdreg.scid  }
0x8b: {  	s0 =	sand.u32 $0x1, s1  }
0x8c: {  	s15 =	sshll.u32 s0, $0xA;
	s2 =	sadd.s32 s3, s2  }
0x8d: {  	s2 =	sadd.s32 s2, s15  }
0x8e: {  	[smem:$0x3FC5] =	sst s2  }
0x8f: {  	_ = 	snop  }
0x90: {  	s2 =	sld [smem:$0x3FD0];
	_ =	sdelay $0x2  }
0x91: {  	s16 =	simm.s32 $0xA;
	s4 =	simm.s32 $0x10  }
0x92: {  	[smem:s4], [sflag:s16] =	dma.local [hbm:s2], $0x1  }
0x93: {  	_ =	swait.eq [sflag:s16], $0x1  }
0x94: {  	[sflag:s16] =	ssyncset.done $0x0  }
0x95: {  	s5 =	sld [smem:$0x10];
	[sflag:s16] =	ssyncadd.s32 $0xFFFFFFFF  }
0x96: {  	s2 =	sadd.s32 $0x1, s2;
	s6 =	sld [smem:$0x16]  }
0x97: {  	[smem:s4], [sflag:s16] =	dma.local [hbm:s2], $0x1  }
0x98: {  	_ =	swait.eq [sflag:s16], $0x1  }
0x99: {  	[sflag:s16] =	ssyncset.done $0x0  }
0x9a: {  	[sflag:s16] =	ssyncadd.s32 $0xFFFFFFFF  }
0x9b: {  	s17 =	sld [smem:$0x10];
	(tm) =	ssettm $0x1  }
0x9c: {  	s18 =	sld [smem:$0x3FFB];
	_ =	sdelay $0x3  }
0x9d: {  	_ =	strace s18  }
0x9e: {  	s3 =	sld [smem:$0x3FFC];
	_ =	sdelay $0x3  }
0x9f: {  	_ =	strace s3  }
0xa0: {  	s3 =	sld [smem:$0x3FFD];
	_ =	sdelay $0x3  }
0xa1: {  	_ =	strace s3  }
0xa2: {  	_ =	strace $0x8FFFFFFF  }
0xa3: {  	s19 =	sld [smem:$0x3FDB];
	_ =	sdelay $0x1  }
0xa4: {  	s20 =	simm.s32 $_scs_section_size  }
0xa5: {  	s7 =	simm.s32 $_size__tile_overlayer_lowered;
	s8 =	simm.s32 $_tile_overlayer_lowered  }
0xa6: {  	s23 =	simm.s32 $0x1BFF;
	s22 =	sshll.u32 s8, $0x1;
	s3 =	sadd.s32 s20, s19  }
0xa7: {  	s9 =	simm.s32 $0x0;
	s21 =	sshll.u32 s7, $0x1;
	s7 =	sadd.s32 s22, s3  }
0xa8: {  	[timem:s9], [sflag:s23] =	dma.local [hbm:s7], s21  }
0xa9: {  	_ =	swait.ge [sflag:s23], s21  }
0xaa: {  	s4 =	ssub.s32 $0x0, s21;
	[sflag:s23] =	ssyncset.done $0x0  }
0xab: {  	[sflag:s23] =	ssyncadd.s32 s4;
	_ =	sdelay $0x1  }
0xac: {  	s24 =	simm.s32 $0x1B8B  }
0xad: {  	_ =	swait.ge [sflag:s24], $0x1  }
0xae: {  	[sflag:s24] =	ssyncset.done $0x0  }
0xaf: {  	s25 =	simm.s32 $0x1B8E;
	[sflag:s24] =	ssyncadd.s32 $0xFFFFFFFF  }
0xb0: {  	s26 =	simm.s32 $execute0_lowered;
	[smem:$0x3FD2] =	sst s25  }
0xb1: {  	s4 =	sshll.u32 s26, $0x1;
	_ =	strace $0x80000046;
	[dreg:$0x1] =	wrdreg $0xFFFFFFFF  }
0xb2: {  	s28 =	simm.s32 $_size_execute0_lowered;
	s3 =	sadd.s32 s3, s4;
	[dreg:$0x0] =	wrdreg $0x0  }
0xb3: {  	s4 =	sshll.u32 s28, $0x1;
	[dreg:$0x2] =	wrdreg s3  }
0xb4: {  	[dreg:$0x3] =	wrdreg s4  }
0xb5: {  	[dreg:$0x4] =	wrdreg $0xC0  }
0xb6: {  	_ =	task [dreg:s9], $0x5FFFF  }
0xb7: {  	[dreg:$0x1] =	wrdreg $0xFFFFFFFF  }
0xb8: {  	[dreg:$0x0] =	wrdreg $0x60  }
0xb9: {  	[dreg:$0x2] =	wrdreg s6  }
0xba: {  	[dreg:$0x3] =	wrdreg s17  }
0xbb: {  	[dreg:$0x4] =	wrdreg s5  }
0xbc: {  	[dreg:$0x5] =	wrdreg $0x9  }
0xbd: {  	_ =	task.clear_ibuf [dreg:s9], $0x6FFFF;
	_ =	strace $0x90000046  }
0xbe: {  	s29 =	simm.s32 $0x9;
	_ =	strace $0x80000048  }
0xbf: {  	_ =	swait.ge [sflag:s29], $0x1  }
0xc0: {  	[sflag:s29] =	ssyncadd.s32 $0xFFFFFFFF  }
0xc1: {  	_ =	strace $0x90000048  }
0xc2: {  	_ =	sfence  }
0xc3: {  	s30 =	sld [smem:$0x0];
	_ =	sdelay $0x2  }
0xc4: {  	s31 =	sshll.u32 s1, $0xD;
	s1 =	sshrl.u32 s1, $0x2  }
0xc5: {  	s3 =	sand.u32 $0x4000, s31;
	s1 =	sadd.s32 s1, s30  }
0xc6: {  	s0 =	sor.u32 s3, s0;
	s1 =	sshll.u32 s1, $0x11  }
0xc7: {  	s0 =	sor.u32 s1, s0  }
0xc8: {  	s0 =	sadd.s32 $0x8F2B, s0  }
0xc9: {  	[sflag:s0] =	ssyncadd.remote.s32 $0x1  }
0xca: {  	_ =	sfence.sel $0xFFFF  }
0xcb: {  	[dreg:$0x0] =	wrdreg $0xFFFFFFFF;
	(pc) =	sbr.abs _section_cstart, $3  }
0xcc: {  	[dreg:$0x1] =	wrdreg $0xFFFFFFFF  }
0xcd: {  	_ =	task.clear_ibuf [dreg:s9], $0x2FFFF;
	_ =	strace $0x9FFFFFFF  }
0xce: {  	(tm) =	ssettm $0x7FFFFFFF  }
0xcf: {  	_ =	shalt  }
tec
execute0_lowered:
.L_overlay_start_1:
0x0: {  	(tag) =	ssettag $0x1  }
0x1: {  	s1 =	rddreg [dreg:$0x0]  }
0x2: {  	s10 =	rddreg [dreg:$0x1]  }
0x3: {  	s11 =	rddreg [dreg:$0x2]  }
0x4: {  	s0 =	rddreg [dreg:$0x3];
	s3 =	simm.s32 $0x0;
	s4 =	srdreg.scid  }
0x5: {  	s2 =	stileid.u32;
	s15 =	simm.s32 $0x880;
	s16 =	simm.s32 $0x1080  }
0x6: {  	s17 =	simm.s32 $0x1880;
	s18 =	simm.s32 $0x2080;
	s19 =	simm.s32 $0x2880  }
0x7: {  	s20 =	simm.s32 $0x3080;
	s21 =	simm.s32 $0x3880;
	s22 =	simm.s32 $0x4080  }
0x8: {  	s28 =	simm.s32 $0x6880;
	s29 =	simm.s32 $0x7080;
	s30 =	simm.s32 $0x7880  }
0x9: {  	s31 =	simm.s32 $0x1;
	[smem:$0x7FF] =	sst s3;
	s4 =	sand.u32 $0x1, s4  }
0xa: {  	s6 =	sshll.u32 s2, $0xA;
	s5 =	ssub.s32 $0x2, s4;
	s4 =	sshll.u32 s4, $0x9  }
0xb: {  	_ =	strace $0x80000047;
	s7 =	sshrl.u32 s5, $0x1;
	s9 =	sor.u32 s4, s6  }
0xc: {  	s12 =	ssub.s32 s5, s7;
	s4 =	sshrl.u32 s9, $0x3;
	s23 =	sshll.u32 s9, $0x5  }
0xd: {  	s6 =	sor.u32 $0x80, s9;
	s13 =	sor.u32 $0x100, s9;
	s14 =	sor.u32 $0x180, s9  }
0xe: {  	s4 =	sadd.s32 s10, s4;
	s5 =	sadd.s32 s11, s23;
	s24 =	sshrl.u32 s6, $0x3  }
0xf: {  	s8 =	sshll.u32 s6, $0x5;
	s25 =	sshrl.u32 s13, $0x3;
	s13 =	sshll.u32 s13, $0x5  }
0x10: {  	s26 =	sshrl.u32 s14, $0x3;
	s14 =	sshll.u32 s14, $0x5;
	s12 =	smax.u32 s12, $0x1  }
0x11: {  	s23 =	simm.s32 $0x4880;
	s6 =	sadd.s32 s10, s24;
	s7 =	sadd.s32 s11, s8  }
0x12: {  	v2 =	vlaneseq.u32;
	s8 =	sadd.s32 s10, s25;
	s9 =	sadd.s32 s11, s13;
	s10 =	sadd.s32 s10, s26  }
0x13: {  	vm0 =	vmmov $0xffff;
	v1 =	vshrl.u32 v2, $0x3;
	s11 =	sadd.s32 s11, s14;
	s13 =	simm.s32 $0x2;
	s14 =	simm.s32 $0x80  }
0x14: {  	v0 =	vand.u32 $0x7, v2;
	v2 =	vor.u32 $0x8, v2;
	v1 =	vmul.u32 $0x8, v1;
	s24 =	simm.s32 $0x5080;
	s25 =	simm.s32 $0x5880;
	s26 =	simm.s32 $0x6080  }
.LBB2_1:
0x15: {  	[tilespmem:s3], [sflag:$0x2] =	stream.linear.gather [hbm4b:s4+s3], $0x80, $0x38;
	[tilespmem:$0x8080] =	vst v63  }
0x16: {  	_ =	swait.ge [sflag:s13], $0x80  }
0x17: {  	[sflag:s13] =	ssyncset.done $0x0  }
0x18: {  	[sflag:s13] =	ssyncadd.s32 $0xFFFFFF80  }
0x19: {  	v3 =	vld [tilespmem:$0x0];
	_ =	sdelay $0x4  }
0x1a: {  	v4 =	vshll.u32 v3, $0x1  }
0x1b: {  	v3 =	vand.u32 $0x7, v3;
	v4 =	vand.u32 $0xFFFFFFF0, v4  }
0x1c: {  	v3 =	vor.u32 v3, v4  }
0x1d: {  	v4 =	vperm.xlane v3, v0;
	_ =	sdelay $0x1  }
0x1e: {  	v3 =	vperm.xlane v3, v2;
	v4 =	vadd.s32 v1, v4;
	_ =	sdelay $0x1  }
0x1f: {  	v3 =	vadd.s32 v1, v3;
	_ =	sdelay $0x2  }
0x20: {  	[tilespmem:s14], [sflag:$0x1] =	stream.indirect_vreg.gather [hbm4b:s1+s3], $0x80, v4, vm0, $0xb8;
	[tilespmem:$0x8080] =	vst v63  }
0x21: {  	_ = 	snop  }
0x22: {  	[tilespmem:s15], [sflag:$0x1] =	stream.indirect_vreg.gather [hbm4b:s1+s3], $0x80, v3, vm0, $0xb8;
	[tilespmem:$0x8080] =	vst v63  }
0x23: {  	v3 =	vld [tilespmem:$0x10];
	_ =	sdelay $0x4  }
0x24: {  	v33 =	vshll.u32 v3, $0x1  }
0x25: {  	v3 =	vand.u32 $0x7, v3;
	v4 =	vand.u32 $0xFFFFFFF0, v33  }
0x26: {  	v3 =	vor.u32 v3, v4  }
0x27: {  	v4 =	vperm.xlane v3, v0;
	_ =	sdelay $0x1  }
0x28: {  	v3 =	vperm.xlane v3, v2;
	v4 =	vadd.s32 v1, v4;
	_ =	sdelay $0x1  }
0x29: {  	v3 =	vadd.s32 v1, v3;
	_ =	sdelay $0x2  }
0x2a: {  	[tilespmem:s16], [sflag:$0x1] =	stream.indirect_vreg.gather [hbm4b:s1+s3], $0x80, v4, vm0, $0xb8;
	[tilespmem:$0x8080] =	vst v63  }
0x2b: {  	_ = 	snop  }
0x2c: {  	[tilespmem:s17], [sflag:$0x1] =	stream.indirect_vreg.gather [hbm4b:s1+s3], $0x80, v3, vm0, $0xb8;
	[tilespmem:$0x8080] =	vst v63  }
0x2d: {  	v3 =	vld [tilespmem:$0x20];
	_ =	sdelay $0x4  }
0x2e: {  	v34 =	vshll.u32 v3, $0x1  }
0x2f: {  	v3 =	vand.u32 $0x7, v3;
	v4 =	vand.u32 $0xFFFFFFF0, v34  }
0x30: {  	v3 =	vor.u32 v3, v4  }
0x31: {  	v4 =	vperm.xlane v3, v0;
	_ =	sdelay $0x1  }
0x32: {  	v3 =	vperm.xlane v3, v2;
	v4 =	vadd.s32 v1, v4;
	_ =	sdelay $0x1  }
0x33: {  	v3 =	vadd.s32 v1, v3;
	_ =	sdelay $0x2  }
0x34: {  	[tilespmem:s18], [sflag:$0x1] =	stream.indirect_vreg.gather [hbm4b:s1+s3], $0x80, v4, vm0, $0xb8;
	[tilespmem:$0x8080] =	vst v63  }
0x35: {  	_ = 	snop  }
0x36: {  	[tilespmem:s19], [sflag:$0x1] =	stream.indirect_vreg.gather [hbm4b:s1+s3], $0x80, v3, vm0, $0xb8;
	[tilespmem:$0x8080] =	vst v63  }
0x37: {  	v3 =	vld [tilespmem:$0x30];
	_ =	sdelay $0x4  }
0x38: {  	v35 =	vshll.u32 v3, $0x1  }
0x39: {  	v3 =	vand.u32 $0x7, v3;
	v4 =	vand.u32 $0xFFFFFFF0, v35  }
0x3a: {  	v3 =	vor.u32 v3, v4  }
0x3b: {  	v4 =	vperm.xlane v3, v0;
	_ =	sdelay $0x1  }
0x3c: {  	v3 =	vperm.xlane v3, v2;
	v4 =	vadd.s32 v1, v4;
	_ =	sdelay $0x1  }
0x3d: {  	v3 =	vadd.s32 v1, v3;
	_ =	sdelay $0x2  }
0x3e: {  	[tilespmem:s20], [sflag:$0x1] =	stream.indirect_vreg.gather [hbm4b:s1+s3], $0x80, v4, vm0, $0xb8;
	[tilespmem:$0x8080] =	vst v63  }
0x3f: {  	_ = 	snop  }
0x40: {  	[tilespmem:s21], [sflag:$0x1] =	stream.indirect_vreg.gather [hbm4b:s1+s3], $0x80, v3, vm0, $0xb8;
	[tilespmem:$0x8080] =	vst v63  }
0x41: {  	v3 =	vld [tilespmem:$0x40];
	_ =	sdelay $0x4  }
0x42: {  	v36 =	vshll.u32 v3, $0x1  }
0x43: {  	v3 =	vand.u32 $0x7, v3;
	v4 =	vand.u32 $0xFFFFFFF0, v36  }
0x44: {  	v3 =	vor.u32 v3, v4  }
0x45: {  	v4 =	vperm.xlane v3, v0;
	_ =	sdelay $0x1  }
0x46: {  	v3 =	vperm.xlane v3, v2;
	v4 =	vadd.s32 v1, v4;
	_ =	sdelay $0x1  }
0x47: {  	v3 =	vadd.s32 v1, v3;
	_ =	sdelay $0x2  }
0x48: {  	[tilespmem:s22], [sflag:$0x1] =	stream.indirect_vreg.gather [hbm4b:s1+s3], $0x80, v4, vm0, $0xb8;
	[tilespmem:$0x8080] =	vst v63  }
0x49: {  	_ = 	snop  }
0x4a: {  	[tilespmem:s23], [sflag:$0x1] =	stream.indirect_vreg.gather [hbm4b:s1+s3], $0x80, v3, vm0, $0xb8;
	[tilespmem:$0x8080] =	vst v63  }
0x4b: {  	v3 =	vld [tilespmem:$0x50];
	_ =	sdelay $0x4  }
0x4c: {  	v37 =	vshll.u32 v3, $0x1  }
0x4d: {  	v3 =	vand.u32 $0x7, v3;
	v4 =	vand.u32 $0xFFFFFFF0, v37  }
0x4e: {  	v3 =	vor.u32 v3, v4  }
0x4f: {  	v4 =	vperm.xlane v3, v0;
	_ =	sdelay $0x1  }
0x50: {  	v3 =	vperm.xlane v3, v2;
	v4 =	vadd.s32 v1, v4;
	_ =	sdelay $0x1  }
0x51: {  	v3 =	vadd.s32 v1, v3;
	_ =	sdelay $0x2  }
0x52: {  	[tilespmem:s24], [sflag:$0x1] =	stream.indirect_vreg.gather [hbm4b:s1+s3], $0x80, v4, vm0, $0xb8;
	[tilespmem:$0x8080] =	vst v63  }
0x53: {  	_ = 	snop  }
0x54: {  	[tilespmem:s25], [sflag:$0x1] =	stream.indirect_vreg.gather [hbm4b:s1+s3], $0x80, v3, vm0, $0xb8;
	[tilespmem:$0x8080] =	vst v63  }
0x55: {  	v3 =	vld [tilespmem:$0x60];
	_ =	sdelay $0x4  }
0x56: {  	v38 =	vshll.u32 v3, $0x1  }
0x57: {  	v3 =	vand.u32 $0x7, v3;
	v4 =	vand.u32 $0xFFFFFFF0, v38  }
0x58: {  	v3 =	vor.u32 v3, v4  }
0x59: {  	v4 =	vperm.xlane v3, v0;
	_ =	sdelay $0x1  }
0x5a: {  	v3 =	vperm.xlane v3, v2;
	v4 =	vadd.s32 v1, v4;
	_ =	sdelay $0x1  }
0x5b: {  	v3 =	vadd.s32 v1, v3;
	_ =	sdelay $0x2  }
0x5c: {  	[tilespmem:s26], [sflag:$0x1] =	stream.indirect_vreg.gather [hbm4b:s1+s3], $0x80, v4, vm0, $0xb8;
	[tilespmem:$0x8080] =	vst v63  }
0x5d: {  	_ = 	snop  }
0x5e: {  	[tilespmem:s28], [sflag:$0x1] =	stream.indirect_vreg.gather [hbm4b:s1+s3], $0x80, v3, vm0, $0xb8;
	[tilespmem:$0x8080] =	vst v63  }
0x5f: {  	v3 =	vld [tilespmem:$0x70];
	_ =	sdelay $0x4  }
0x60: {  	v39 =	vshll.u32 v3, $0x1  }
0x61: {  	v3 =	vand.u32 $0x7, v3;
	v4 =	vand.u32 $0xFFFFFFF0, v39  }
0x62: {  	v3 =	vor.u32 v3, v4  }
0x63: {  	v4 =	vperm.xlane v3, v0;
	_ =	sdelay $0x1  }
0x64: {  	v3 =	vperm.xlane v3, v2;
	v4 =	vadd.s32 v1, v4;
	_ =	sdelay $0x1  }
0x65: {  	v3 =	vadd.s32 v1, v3;
	_ =	sdelay $0x2  }
0x66: {  	[tilespmem:s29], [sflag:$0x1] =	stream.indirect_vreg.gather [hbm4b:s1+s3], $0x80, v4, vm0, $0xb8;
	[tilespmem:$0x8080] =	vst v63  }
0x67: {  	_ = 	snop  }
0x68: {  	[tilespmem:s30], [sflag:$0x1] =	stream.indirect_vreg.gather [hbm4b:s1+s3], $0x80, v3, vm0, $0xb8;
	[tilespmem:$0x8080] =	vst v63  }
0x69: {  	_ =	swait.ge [sflag:s31], $0x8000  }
0x6a: {  	[sflag:s31] =	ssyncset.done $0x0  }
0x6b: {  	[sflag:s31] =	ssyncadd.s32 $0xFFFF8000  }
0x6c: {  	[hbm4b:s5+s3] =	stream.linear.scatter [tilespmem:s14], [sflag:$0x2], $0x8000, $0x38;
	[tilespmem:$0x8080] =	vst v63  }
0x6d: {  	_ =	swait.ge [sflag:s13], $0x8000  }
0x6e: {  	[sflag:s13] =	ssyncset.done $0x0  }
0x6f: {  	[sflag:s13] =	ssyncadd.s32 $0xFFFF8000  }
0x70: {  	[tilespmem:s3], [sflag:$0x2] =	stream.linear.gather [hbm4b:s6+s3], $0x80, $0x38;
	[tilespmem:$0x8080] =	vst v63  }
0x71: {  	_ =	swait.ge [sflag:s13], $0x80  }
0x72: {  	[sflag:s13] =	ssyncset.done $0x0  }
0x73: {  	[sflag:s13] =	ssyncadd.s32 $0xFFFFFF80  }
0x74: {  	v3 =	vld [tilespmem:$0x0];
	_ =	sdelay $0x4  }
0x75: {  	v40 =	vshll.u32 v3, $0x1  }
0x76: {  	v3 =	vand.u32 $0x7, v3;
	v4 =	vand.u32 $0xFFFFFFF0, v40  }
0x77: {  	v3 =	vor.u32 v3, v4  }
0x78: {  	v4 =	vperm.xlane v3, v0;
	_ =	sdelay $0x1  }
0x79: {  	v3 =	vperm.xlane v3, v2;
	v4 =	vadd.s32 v1, v4;
	_ =	sdelay $0x1  }
0x7a: {  	v3 =	vadd.s32 v1, v3;
	_ =	sdelay $0x2  }
0x7b: {  	[tilespmem:s14], [sflag:$0x1] =	stream.indirect_vreg.gather [hbm4b:s1+s3], $0x80, v4, vm0, $0xb8;
	[tilespmem:$0x8080] =	vst v63  }
0x7c: {  	_ = 	snop  }
0x7d: {  	[tilespmem:s15], [sflag:$0x1] =	stream.indirect_vreg.gather [hbm4b:s1+s3], $0x80, v3, vm0, $0xb8;
	[tilespmem:$0x8080] =	vst v63  }
0x7e: {  	v3 =	vld [tilespmem:$0x10];
	_ =	sdelay $0x4  }
0x7f: {  	v41 =	vshll.u32 v3, $0x1  }
0x80: {  	v3 =	vand.u32 $0x7, v3;
	v4 =	vand.u32 $0xFFFFFFF0, v41  }
0x81: {  	v3 =	vor.u32 v3, v4  }
0x82: {  	v4 =	vperm.xlane v3, v0;
	_ =	sdelay $0x1  }
0x83: {  	v3 =	vperm.xlane v3, v2;
	v4 =	vadd.s32 v1, v4;
	_ =	sdelay $0x1  }
0x84: {  	v3 =	vadd.s32 v1, v3;
	_ =	sdelay $0x2  }
0x85: {  	[tilespmem:s16], [sflag:$0x1] =	stream.indirect_vreg.gather [hbm4b:s1+s3], $0x80, v4, vm0, $0xb8;
	[tilespmem:$0x8080] =	vst v63  }
0x86: {  	_ = 	snop  }
0x87: {  	[tilespmem:s17], [sflag:$0x1] =	stream.indirect_vreg.gather [hbm4b:s1+s3], $0x80, v3, vm0, $0xb8;
	[tilespmem:$0x8080] =	vst v63  }
0x88: {  	v3 =	vld [tilespmem:$0x20];
	_ =	sdelay $0x4  }
0x89: {  	v42 =	vshll.u32 v3, $0x1  }
0x8a: {  	v3 =	vand.u32 $0x7, v3;
	v4 =	vand.u32 $0xFFFFFFF0, v42  }
0x8b: {  	v3 =	vor.u32 v3, v4  }
0x8c: {  	v4 =	vperm.xlane v3, v0;
	_ =	sdelay $0x1  }
0x8d: {  	v3 =	vperm.xlane v3, v2;
	v4 =	vadd.s32 v1, v4;
	_ =	sdelay $0x1  }
0x8e: {  	v3 =	vadd.s32 v1, v3;
	_ =	sdelay $0x2  }
0x8f: {  	[tilespmem:s18], [sflag:$0x1] =	stream.indirect_vreg.gather [hbm4b:s1+s3], $0x80, v4, vm0, $0xb8;
	[tilespmem:$0x8080] =	vst v63  }
0x90: {  	_ = 	snop  }
0x91: {  	[tilespmem:s19], [sflag:$0x1] =	stream.indirect_vreg.gather [hbm4b:s1+s3], $0x80, v3, vm0, $0xb8;
	[tilespmem:$0x8080] =	vst v63  }
0x92: {  	v3 =	vld [tilespmem:$0x30];
	_ =	sdelay $0x4  }
0x93: {  	v43 =	vshll.u32 v3, $0x1  }
0x94: {  	v3 =	vand.u32 $0x7, v3;
	v4 =	vand.u32 $0xFFFFFFF0, v43  }
0x95: {  	v3 =	vor.u32 v3, v4  }
0x96: {  	v4 =	vperm.xlane v3, v0;
	_ =	sdelay $0x1  }
0x97: {  	v3 =	vperm.xlane v3, v2;
	v4 =	vadd.s32 v1, v4;
	_ =	sdelay $0x1  }
0x98: {  	v3 =	vadd.s32 v1, v3;
	_ =	sdelay $0x2  }
0x99: {  	[tilespmem:s20], [sflag:$0x1] =	stream.indirect_vreg.gather [hbm4b:s1+s3], $0x80, v4, vm0, $0xb8;
	[tilespmem:$0x8080] =	vst v63  }
0x9a: {  	_ = 	snop  }
0x9b: {  	[tilespmem:s21], [sflag:$0x1] =	stream.indirect_vreg.gather [hbm4b:s1+s3], $0x80, v3, vm0, $0xb8;
	[tilespmem:$0x8080] =	vst v63  }
0x9c: {  	v3 =	vld [tilespmem:$0x40];
	_ =	sdelay $0x4  }
0x9d: {  	v44 =	vshll.u32 v3, $0x1  }
0x9e: {  	v3 =	vand.u32 $0x7, v3;
	v4 =	vand.u32 $0xFFFFFFF0, v44  }
0x9f: {  	v3 =	vor.u32 v3, v4  }
0xa0: {  	v4 =	vperm.xlane v3, v0;
	_ =	sdelay $0x1  }
0xa1: {  	v3 =	vperm.xlane v3, v2;
	v4 =	vadd.s32 v1, v4;
	_ =	sdelay $0x1  }
0xa2: {  	v3 =	vadd.s32 v1, v3;
	_ =	sdelay $0x2  }
0xa3: {  	[tilespmem:s22], [sflag:$0x1] =	stream.indirect_vreg.gather [hbm4b:s1+s3], $0x80, v4, vm0, $0xb8;
	[tilespmem:$0x8080] =	vst v63  }
0xa4: {  	_ = 	snop  }
0xa5: {  	[tilespmem:s23], [sflag:$0x1] =	stream.indirect_vreg.gather [hbm4b:s1+s3], $0x80, v3, vm0, $0xb8;
	[tilespmem:$0x8080] =	vst v63  }
0xa6: {  	v3 =	vld [tilespmem:$0x50];
	_ =	sdelay $0x4  }
0xa7: {  	v45 =	vshll.u32 v3, $0x1  }
0xa8: {  	v3 =	vand.u32 $0x7, v3;
	v4 =	vand.u32 $0xFFFFFFF0, v45  }
0xa9: {  	v3 =	vor.u32 v3, v4  }
0xaa: {  	v4 =	vperm.xlane v3, v0;
	_ =	sdelay $0x1  }
0xab: {  	v3 =	vperm.xlane v3, v2;
	v4 =	vadd.s32 v1, v4;
	_ =	sdelay $0x1  }
0xac: {  	v3 =	vadd.s32 v1, v3;
	_ =	sdelay $0x2  }
0xad: {  	[tilespmem:s24], [sflag:$0x1] =	stream.indirect_vreg.gather [hbm4b:s1+s3], $0x80, v4, vm0, $0xb8;
	[tilespmem:$0x8080] =	vst v63  }
0xae: {  	_ = 	snop  }
0xaf: {  	[tilespmem:s25], [sflag:$0x1] =	stream.indirect_vreg.gather [hbm4b:s1+s3], $0x80, v3, vm0, $0xb8;
	[tilespmem:$0x8080] =	vst v63  }
0xb0: {  	v3 =	vld [tilespmem:$0x60];
	_ =	sdelay $0x4  }
0xb1: {  	v46 =	vshll.u32 v3, $0x1  }
0xb2: {  	v3 =	vand.u32 $0x7, v3;
	v4 =	vand.u32 $0xFFFFFFF0, v46  }
0xb3: {  	v3 =	vor.u32 v3, v4  }
0xb4: {  	v4 =	vperm.xlane v3, v0;
	_ =	sdelay $0x1  }
0xb5: {  	v3 =	vperm.xlane v3, v2;
	v4 =	vadd.s32 v1, v4;
	_ =	sdelay $0x1  }
0xb6: {  	v3 =	vadd.s32 v1, v3;
	_ =	sdelay $0x2  }
0xb7: {  	[tilespmem:s26], [sflag:$0x1] =	stream.indirect_vreg.gather [hbm4b:s1+s3], $0x80, v4, vm0, $0xb8;
	[tilespmem:$0x8080] =	vst v63  }
0xb8: {  	_ = 	snop  }
0xb9: {  	[tilespmem:s28], [sflag:$0x1] =	stream.indirect_vreg.gather [hbm4b:s1+s3], $0x80, v3, vm0, $0xb8;
	[tilespmem:$0x8080] =	vst v63  }
0xba: {  	v3 =	vld [tilespmem:$0x70];
	_ =	sdelay $0x4  }
0xbb: {  	v47 =	vshll.u32 v3, $0x1  }
0xbc: {  	v3 =	vand.u32 $0x7, v3;
	v4 =	vand.u32 $0xFFFFFFF0, v47  }
0xbd: {  	v3 =	vor.u32 v3, v4  }
0xbe: {  	v4 =	vperm.xlane v3, v0;
	_ =	sdelay $0x1  }
0xbf: {  	v3 =	vperm.xlane v3, v2;
	v4 =	vadd.s32 v1, v4;
	_ =	sdelay $0x1  }
0xc0: {  	v3 =	vadd.s32 v1, v3;
	_ =	sdelay $0x2  }
0xc1: {  	[tilespmem:s29], [sflag:$0x1] =	stream.indirect_vreg.gather [hbm4b:s1+s3], $0x80, v4, vm0, $0xb8;
	[tilespmem:$0x8080] =	vst v63  }
0xc2: {  	_ = 	snop  }
0xc3: {  	[tilespmem:s30], [sflag:$0x1] =	stream.indirect_vreg.gather [hbm4b:s1+s3], $0x80, v3, vm0, $0xb8;
	[tilespmem:$0x8080] =	vst v63  }
0xc4: {  	_ =	swait.ge [sflag:s31], $0x8000  }
0xc5: {  	[sflag:s31] =	ssyncset.done $0x0  }
0xc6: {  	[sflag:s31] =	ssyncadd.s32 $0xFFFF8000  }
0xc7: {  	[hbm4b:s7+s3] =	stream.linear.scatter [tilespmem:s14], [sflag:$0x2], $0x8000, $0x38;
	[tilespmem:$0x8080] =	vst v63  }
0xc8: {  	_ =	swait.ge [sflag:s13], $0x8000  }
0xc9: {  	[sflag:s13] =	ssyncset.done $0x0  }
0xca: {  	[sflag:s13] =	ssyncadd.s32 $0xFFFF8000  }
0xcb: {  	[tilespmem:s3], [sflag:$0x2] =	stream.linear.gather [hbm4b:s8+s3], $0x80, $0x38;
	[tilespmem:$0x8080] =	vst v63  }
0xcc: {  	_ =	swait.ge [sflag:s13], $0x80  }
0xcd: {  	[sflag:s13] =	ssyncset.done $0x0  }
0xce: {  	[sflag:s13] =	ssyncadd.s32 $0xFFFFFF80  }
0xcf: {  	v3 =	vld [tilespmem:$0x0];
	_ =	sdelay $0x4  }
0xd0: {  	v48 =	vshll.u32 v3, $0x1  }
0xd1: {  	v3 =	vand.u32 $0x7, v3;
	v4 =	vand.u32 $0xFFFFFFF0, v48  }
0xd2: {  	v3 =	vor.u32 v3, v4  }
0xd3: {  	v4 =	vperm.xlane v3, v0;
	_ =	sdelay $0x1  }
0xd4: {  	v3 =	vperm.xlane v3, v2;
	v4 =	vadd.s32 v1, v4;
	_ =	sdelay $0x1  }
0xd5: {  	v3 =	vadd.s32 v1, v3;
	_ =	sdelay $0x2  }
0xd6: {  	[tilespmem:s14], [sflag:$0x1] =	stream.indirect_vreg.gather [hbm4b:s1+s3], $0x80, v4, vm0, $0xb8;
	[tilespmem:$0x8080] =	vst v63  }
0xd7: {  	_ = 	snop  }
0xd8: {  	[tilespmem:s15], [sflag:$0x1] =	stream.indirect_vreg.gather [hbm4b:s1+s3], $0x80, v3, vm0, $0xb8;
	[tilespmem:$0x8080] =	vst v63  }
0xd9: {  	v3 =	vld [tilespmem:$0x10];
	_ =	sdelay $0x4  }
0xda: {  	v49 =	vshll.u32 v3, $0x1  }
0xdb: {  	v3 =	vand.u32 $0x7, v3;
	v4 =	vand.u32 $0xFFFFFFF0, v49  }
0xdc: {  	v3 =	vor.u32 v3, v4  }
0xdd: {  	v4 =	vperm.xlane v3, v0;
	_ =	sdelay $0x1  }
0xde: {  	v3 =	vperm.xlane v3, v2;
	v4 =	vadd.s32 v1, v4;
	_ =	sdelay $0x1  }
0xdf: {  	v3 =	vadd.s32 v1, v3;
	_ =	sdelay $0x2  }
0xe0: {  	[tilespmem:s16], [sflag:$0x1] =	stream.indirect_vreg.gather [hbm4b:s1+s3], $0x80, v4, vm0, $0xb8;
	[tilespmem:$0x8080] =	vst v63  }
0xe1: {  	_ = 	snop  }
0xe2: {  	[tilespmem:s17], [sflag:$0x1] =	stream.indirect_vreg.gather [hbm4b:s1+s3], $0x80, v3, vm0, $0xb8;
	[tilespmem:$0x8080] =	vst v63  }
0xe3: {  	v3 =	vld [tilespmem:$0x20];
	_ =	sdelay $0x4  }
0xe4: {  	v50 =	vshll.u32 v3, $0x1  }
0xe5: {  	v3 =	vand.u32 $0x7, v3;
	v4 =	vand.u32 $0xFFFFFFF0, v50  }
0xe6: {  	v3 =	vor.u32 v3, v4  }
0xe7: {  	v4 =	vperm.xlane v3, v0;
	_ =	sdelay $0x1  }
0xe8: {  	v3 =	vperm.xlane v3, v2;
	v4 =	vadd.s32 v1, v4;
	_ =	sdelay $0x1  }
0xe9: {  	v3 =	vadd.s32 v1, v3;
	_ =	sdelay $0x2  }
0xea: {  	[tilespmem:s18], [sflag:$0x1] =	stream.indirect_vreg.gather [hbm4b:s1+s3], $0x80, v4, vm0, $0xb8;
	[tilespmem:$0x8080] =	vst v63  }
0xeb: {  	_ = 	snop  }
0xec: {  	[tilespmem:s19], [sflag:$0x1] =	stream.indirect_vreg.gather [hbm4b:s1+s3], $0x80, v3, vm0, $0xb8;
	[tilespmem:$0x8080] =	vst v63  }
0xed: {  	v3 =	vld [tilespmem:$0x30];
	_ =	sdelay $0x4  }
0xee: {  	v51 =	vshll.u32 v3, $0x1  }
0xef: {  	v3 =	vand.u32 $0x7, v3;
	v4 =	vand.u32 $0xFFFFFFF0, v51  }
0xf0: {  	v3 =	vor.u32 v3, v4  }
0xf1: {  	v4 =	vperm.xlane v3, v0;
	_ =	sdelay $0x1  }
0xf2: {  	v3 =	vperm.xlane v3, v2;
	v4 =	vadd.s32 v1, v4;
	_ =	sdelay $0x1  }
0xf3: {  	v3 =	vadd.s32 v1, v3;
	_ =	sdelay $0x2  }
0xf4: {  	[tilespmem:s20], [sflag:$0x1] =	stream.indirect_vreg.gather [hbm4b:s1+s3], $0x80, v4, vm0, $0xb8;
	[tilespmem:$0x8080] =	vst v63  }
0xf5: {  	_ = 	snop  }
0xf6: {  	[tilespmem:s21], [sflag:$0x1] =	stream.indirect_vreg.gather [hbm4b:s1+s3], $0x80, v3, vm0, $0xb8;
	[tilespmem:$0x8080] =	vst v63  }
0xf7: {  	v3 =	vld [tilespmem:$0x40];
	_ =	sdelay $0x4  }
0xf8: {  	v52 =	vshll.u32 v3, $0x1  }
0xf9: {  	v3 =	vand.u32 $0x7, v3;
	v4 =	vand.u32 $0xFFFFFFF0, v52  }
0xfa: {  	v3 =	vor.u32 v3, v4  }
0xfb: {  	v4 =	vperm.xlane v3, v0;
	_ =	sdelay $0x1  }
0xfc: {  	v3 =	vperm.xlane v3, v2;
	v4 =	vadd.s32 v1, v4;
	_ =	sdelay $0x1  }
0xfd: {  	v3 =	vadd.s32 v1, v3;
	_ =	sdelay $0x2  }
0xfe: {  	[tilespmem:s22], [sflag:$0x1] =	stream.indirect_vreg.gather [hbm4b:s1+s3], $0x80, v4, vm0, $0xb8;
	[tilespmem:$0x8080] =	vst v63  }
0xff: {  	_ = 	snop  }
0x100: {  	[tilespmem:s23], [sflag:$0x1] =	stream.indirect_vreg.gather [hbm4b:s1+s3], $0x80, v3, vm0, $0xb8;
	[tilespmem:$0x8080] =	vst v63  }
0x101: {  	v3 =	vld [tilespmem:$0x50];
	_ =	sdelay $0x4  }
0x102: {  	v53 =	vshll.u32 v3, $0x1  }
0x103: {  	v3 =	vand.u32 $0x7, v3;
	v4 =	vand.u32 $0xFFFFFFF0, v53  }
0x104: {  	v3 =	vor.u32 v3, v4  }
0x105: {  	v4 =	vperm.xlane v3, v0;
	_ =	sdelay $0x1  }
0x106: {  	v3 =	vperm.xlane v3, v2;
	v4 =	vadd.s32 v1, v4;
	_ =	sdelay $0x1  }
0x107: {  	v3 =	vadd.s32 v1, v3;
	_ =	sdelay $0x2  }
0x108: {  	[tilespmem:s24], [sflag:$0x1] =	stream.indirect_vreg.gather [hbm4b:s1+s3], $0x80, v4, vm0, $0xb8;
	[tilespmem:$0x8080] =	vst v63  }
0x109: {  	_ = 	snop  }
0x10a: {  	[tilespmem:s25], [sflag:$0x1] =	stream.indirect_vreg.gather [hbm4b:s1+s3], $0x80, v3, vm0, $0xb8;
	[tilespmem:$0x8080] =	vst v63  }
0x10b: {  	v3 =	vld [tilespmem:$0x60];
	_ =	sdelay $0x4  }
0x10c: {  	v54 =	vshll.u32 v3, $0x1  }
0x10d: {  	v3 =	vand.u32 $0x7, v3;
	v4 =	vand.u32 $0xFFFFFFF0, v54  }
0x10e: {  	v3 =	vor.u32 v3, v4  }
0x10f: {  	v4 =	vperm.xlane v3, v0;
	_ =	sdelay $0x1  }
0x110: {  	v3 =	vperm.xlane v3, v2;
	v4 =	vadd.s32 v1, v4;
	_ =	sdelay $0x1  }
0x111: {  	v3 =	vadd.s32 v1, v3;
	_ =	sdelay $0x2  }
0x112: {  	[tilespmem:s26], [sflag:$0x1] =	stream.indirect_vreg.gather [hbm4b:s1+s3], $0x80, v4, vm0, $0xb8;
	[tilespmem:$0x8080] =	vst v63  }
0x113: {  	_ = 	snop  }
0x114: {  	[tilespmem:s28], [sflag:$0x1] =	stream.indirect_vreg.gather [hbm4b:s1+s3], $0x80, v3, vm0, $0xb8;
	[tilespmem:$0x8080] =	vst v63  }
0x115: {  	v3 =	vld [tilespmem:$0x70];
	_ =	sdelay $0x4  }
0x116: {  	v55 =	vshll.u32 v3, $0x1  }
0x117: {  	v3 =	vand.u32 $0x7, v3;
	v4 =	vand.u32 $0xFFFFFFF0, v55  }
0x118: {  	v3 =	vor.u32 v3, v4  }
0x119: {  	v4 =	vperm.xlane v3, v0;
	_ =	sdelay $0x1  }
0x11a: {  	v3 =	vperm.xlane v3, v2;
	v4 =	vadd.s32 v1, v4;
	_ =	sdelay $0x1  }
0x11b: {  	v3 =	vadd.s32 v1, v3;
	_ =	sdelay $0x2  }
0x11c: {  	[tilespmem:s29], [sflag:$0x1] =	stream.indirect_vreg.gather [hbm4b:s1+s3], $0x80, v4, vm0, $0xb8;
	[tilespmem:$0x8080] =	vst v63  }
0x11d: {  	_ = 	snop  }
0x11e: {  	[tilespmem:s30], [sflag:$0x1] =	stream.indirect_vreg.gather [hbm4b:s1+s3], $0x80, v3, vm0, $0xb8;
	[tilespmem:$0x8080] =	vst v63  }
0x11f: {  	_ =	swait.ge [sflag:s31], $0x8000  }
0x120: {  	[sflag:s31] =	ssyncset.done $0x0  }
0x121: {  	[sflag:s31] =	ssyncadd.s32 $0xFFFF8000  }
0x122: {  	[hbm4b:s9+s3] =	stream.linear.scatter [tilespmem:s14], [sflag:$0x2], $0x8000, $0x38;
	[tilespmem:$0x8080] =	vst v63  }
0x123: {  	_ =	swait.ge [sflag:s13], $0x8000  }
0x124: {  	[sflag:s13] =	ssyncset.done $0x0  }
0x125: {  	[sflag:s13] =	ssyncadd.s32 $0xFFFF8000  }
0x126: {  	[tilespmem:s3], [sflag:$0x2] =	stream.linear.gather [hbm4b:s10+s3], $0x80, $0x38;
	[tilespmem:$0x8080] =	vst v63  }
0x127: {  	_ =	swait.ge [sflag:s13], $0x80  }
0x128: {  	[sflag:s13] =	ssyncset.done $0x0  }
0x129: {  	[sflag:s13] =	ssyncadd.s32 $0xFFFFFF80  }
0x12a: {  	v3 =	vld [tilespmem:$0x0];
	_ =	sdelay $0x4  }
0x12b: {  	v56 =	vshll.u32 v3, $0x1  }
0x12c: {  	v3 =	vand.u32 $0x7, v3;
	v4 =	vand.u32 $0xFFFFFFF0, v56  }
0x12d: {  	v3 =	vor.u32 v3, v4  }
0x12e: {  	v4 =	vperm.xlane v3, v0;
	_ =	sdelay $0x1  }
0x12f: {  	v3 =	vperm.xlane v3, v2;
	v4 =	vadd.s32 v1, v4;
	_ =	sdelay $0x1  }
0x130: {  	v3 =	vadd.s32 v1, v3;
	_ =	sdelay $0x2  }
0x131: {  	[tilespmem:s14], [sflag:$0x1] =	stream.indirect_vreg.gather [hbm4b:s1+s3], $0x80, v4, vm0, $0xb8;
	[tilespmem:$0x8080] =	vst v63  }
0x132: {  	_ = 	snop  }
0x133: {  	[tilespmem:s15], [sflag:$0x1] =	stream.indirect_vreg.gather [hbm4b:s1+s3], $0x80, v3, vm0, $0xb8;
	[tilespmem:$0x8080] =	vst v63  }
0x134: {  	v3 =	vld [tilespmem:$0x10];
	_ =	sdelay $0x4  }
0x135: {  	v57 =	vshll.u32 v3, $0x1  }
0x136: {  	v3 =	vand.u32 $0x7, v3;
	v4 =	vand.u32 $0xFFFFFFF0, v57  }
0x137: {  	v3 =	vor.u32 v3, v4  }
0x138: {  	v4 =	vperm.xlane v3, v0;
	_ =	sdelay $0x1  }
0x139: {  	v3 =	vperm.xlane v3, v2;
	v4 =	vadd.s32 v1, v4;
	_ =	sdelay $0x1  }
0x13a: {  	v3 =	vadd.s32 v1, v3;
	_ =	sdelay $0x2  }
0x13b: {  	[tilespmem:s16], [sflag:$0x1] =	stream.indirect_vreg.gather [hbm4b:s1+s3], $0x80, v4, vm0, $0xb8;
	[tilespmem:$0x8080] =	vst v63  }
0x13c: {  	_ = 	snop  }
0x13d: {  	[tilespmem:s17], [sflag:$0x1] =	stream.indirect_vreg.gather [hbm4b:s1+s3], $0x80, v3, vm0, $0xb8;
	[tilespmem:$0x8080] =	vst v63  }
0x13e: {  	v3 =	vld [tilespmem:$0x20];
	_ =	sdelay $0x4  }
0x13f: {  	v58 =	vshll.u32 v3, $0x1  }
0x140: {  	v3 =	vand.u32 $0x7, v3;
	v4 =	vand.u32 $0xFFFFFFF0, v58  }
0x141: {  	v3 =	vor.u32 v3, v4  }
0x142: {  	v4 =	vperm.xlane v3, v0;
	_ =	sdelay $0x1  }
0x143: {  	v3 =	vperm.xlane v3, v2;
	v4 =	vadd.s32 v1, v4;
	_ =	sdelay $0x1  }
0x144: {  	v3 =	vadd.s32 v1, v3;
	_ =	sdelay $0x2  }
0x145: {  	[tilespmem:s18], [sflag:$0x1] =	stream.indirect_vreg.gather [hbm4b:s1+s3], $0x80, v4, vm0, $0xb8;
	[tilespmem:$0x8080] =	vst v63  }
0x146: {  	_ = 	snop  }
0x147: {  	[tilespmem:s19], [sflag:$0x1] =	stream.indirect_vreg.gather [hbm4b:s1+s3], $0x80, v3, vm0, $0xb8;
	[tilespmem:$0x8080] =	vst v63  }
0x148: {  	v3 =	vld [tilespmem:$0x30];
	_ =	sdelay $0x4  }
0x149: {  	v59 =	vshll.u32 v3, $0x1  }
0x14a: {  	v3 =	vand.u32 $0x7, v3;
	v4 =	vand.u32 $0xFFFFFFF0, v59  }
0x14b: {  	v3 =	vor.u32 v3, v4  }
0x14c: {  	v4 =	vperm.xlane v3, v0;
	_ =	sdelay $0x1  }
0x14d: {  	v3 =	vperm.xlane v3, v2;
	v4 =	vadd.s32 v1, v4;
	_ =	sdelay $0x1  }
0x14e: {  	v3 =	vadd.s32 v1, v3;
	_ =	sdelay $0x2  }
0x14f: {  	[tilespmem:s20], [sflag:$0x1] =	stream.indirect_vreg.gather [hbm4b:s1+s3], $0x80, v4, vm0, $0xb8;
	[tilespmem:$0x8080] =	vst v63  }
0x150: {  	_ = 	snop  }
0x151: {  	[tilespmem:s21], [sflag:$0x1] =	stream.indirect_vreg.gather [hbm4b:s1+s3], $0x80, v3, vm0, $0xb8;
	[tilespmem:$0x8080] =	vst v63  }
0x152: {  	v3 =	vld [tilespmem:$0x40];
	_ =	sdelay $0x4  }
0x153: {  	v60 =	vshll.u32 v3, $0x1  }
0x154: {  	v3 =	vand.u32 $0x7, v3;
	v4 =	vand.u32 $0xFFFFFFF0, v60  }
0x155: {  	v3 =	vor.u32 v3, v4  }
0x156: {  	v4 =	vperm.xlane v3, v0;
	_ =	sdelay $0x1  }
0x157: {  	v3 =	vperm.xlane v3, v2;
	v4 =	vadd.s32 v1, v4;
	_ =	sdelay $0x1  }
0x158: {  	v3 =	vadd.s32 v1, v3;
	_ =	sdelay $0x2  }
0x159: {  	[tilespmem:s22], [sflag:$0x1] =	stream.indirect_vreg.gather [hbm4b:s1+s3], $0x80, v4, vm0, $0xb8;
	[tilespmem:$0x8080] =	vst v63  }
0x15a: {  	_ = 	snop  }
0x15b: {  	[tilespmem:s23], [sflag:$0x1] =	stream.indirect_vreg.gather [hbm4b:s1+s3], $0x80, v3, vm0, $0xb8;
	[tilespmem:$0x8080] =	vst v63  }
0x15c: {  	v3 =	vld [tilespmem:$0x50];
	_ =	sdelay $0x4  }
0x15d: {  	v61 =	vshll.u32 v3, $0x1  }
0x15e: {  	v3 =	vand.u32 $0x7, v3;
	v4 =	vand.u32 $0xFFFFFFF0, v61  }
0x15f: {  	v3 =	vor.u32 v3, v4  }
0x160: {  	v4 =	vperm.xlane v3, v0;
	_ =	sdelay $0x1  }
0x161: {  	v3 =	vperm.xlane v3, v2;
	v4 =	vadd.s32 v1, v4;
	_ =	sdelay $0x1  }
0x162: {  	v3 =	vadd.s32 v1, v3;
	_ =	sdelay $0x2  }
0x163: {  	[tilespmem:s24], [sflag:$0x1] =	stream.indirect_vreg.gather [hbm4b:s1+s3], $0x80, v4, vm0, $0xb8;
	[tilespmem:$0x8080] =	vst v63  }
0x164: {  	_ = 	snop  }
0x165: {  	[tilespmem:s25], [sflag:$0x1] =	stream.indirect_vreg.gather [hbm4b:s1+s3], $0x80, v3, vm0, $0xb8;
	[tilespmem:$0x8080] =	vst v63  }
0x166: {  	v3 =	vld [tilespmem:$0x60];
	_ =	sdelay $0x4  }
0x167: {  	v62 =	vshll.u32 v3, $0x1  }
0x168: {  	v3 =	vand.u32 $0x7, v3;
	v4 =	vand.u32 $0xFFFFFFF0, v62  }
0x169: {  	v3 =	vor.u32 v3, v4  }
0x16a: {  	v4 =	vperm.xlane v3, v0;
	_ =	sdelay $0x1  }
0x16b: {  	v3 =	vperm.xlane v3, v2;
	v4 =	vadd.s32 v1, v4;
	_ =	sdelay $0x1  }
0x16c: {  	v3 =	vadd.s32 v1, v3;
	_ =	sdelay $0x2  }
0x16d: {  	[tilespmem:s26], [sflag:$0x1] =	stream.indirect_vreg.gather [hbm4b:s1+s3], $0x80, v4, vm0, $0xb8;
	[tilespmem:$0x8080] =	vst v63  }
0x16e: {  	_ = 	snop  }
0x16f: {  	[tilespmem:s28], [sflag:$0x1] =	stream.indirect_vreg.gather [hbm4b:s1+s3], $0x80, v3, vm0, $0xb8;
	[tilespmem:$0x8080] =	vst v63  }
0x170: {  	v3 =	vld [tilespmem:$0x70];
	_ =	sdelay $0x4  }
0x171: {  	v63 =	vshll.u32 v3, $0x1  }
0x172: {  	v3 =	vand.u32 $0x7, v3;
	v4 =	vand.u32 $0xFFFFFFF0, v63  }
0x173: {  	v3 =	vor.u32 v3, v4  }
0x174: {  	v4 =	vperm.xlane v3, v0;
	_ =	sdelay $0x1  }
0x175: {  	v3 =	vperm.xlane v3, v2;
	v4 =	vadd.s32 v1, v4;
	_ =	sdelay $0x1  }
0x176: {  	v3 =	vadd.s32 v1, v3;
	_ =	sdelay $0x2  }
0x177: {  	[tilespmem:s29], [sflag:$0x1] =	stream.indirect_vreg.gather [hbm4b:s1+s3], $0x80, v4, vm0, $0xb8;
	[tilespmem:$0x8080] =	vst v63  }
0x178: {  	_ = 	snop  }
0x179: {  	[tilespmem:s30], [sflag:$0x1] =	stream.indirect_vreg.gather [hbm4b:s1+s3], $0x80, v3, vm0, $0xb8;
	[tilespmem:$0x8080] =	vst v63  }
0x17a: {  	_ =	swait.ge [sflag:s31], $0x8000  }
0x17b: {  	p0 =	sne.s32 s12, $0x1;
	[sflag:s31] =	ssyncset.done $0x0  }
.Ltmp0:
0x17c: {  	[sflag:s31] =	ssyncadd.s32 $0xFFFF8000;
	(pc) =	sbr.rel @p0 .LBB2_1-.Ltmp0, $4  }
0x17d: {  	[hbm4b:s11+s3] =	stream.linear.scatter [tilespmem:s14], [sflag:$0x2], $0x8000, $0x38;
	[tilespmem:$0x8080] =	vst v63  }
0x17e: {  	_ =	swait.ge [sflag:s13], $0x8000  }
0x17f: {  	[sflag:s13] =	ssyncset.done $0x0  }
0x180: {  	s12 =	sadd.s32 $0xFFFFFFFF, s12;
	[sflag:s13] =	ssyncadd.s32 $0xFFFF8000  }
0x181: {  	_ =	sfence.sel $0x180000  }
0x182: {  	[bflag:$0x0] =	sbarrier.arrive $0xFFFF  }
0x183: {  	p0 =	sne.s32 s2, $0x0;
	_ =	strace $0x90000047  }
0x184: {  	s0 =	sadd.s32 @!p0 $0x100000, s0;
	[bflag:$0x2] =	sbarrier.arrive $0xFFFF  }
0x185: {  	[sflag:s0] =	ssyncadd.tile.s32 @!p0 $0x1;
	_ =	shalt  }
.Lfunc_end2:
_tile_overlayer_lowered:
.L_overlay_start_2:
0x186: {  	(tag) =	ssettag $0x2  }
0x187: {  	s0 =	rddreg [dreg:$0x0];
	s2 =	stileid.u32  }
0x188: {  	s1 =	rddreg [dreg:$0x1];
	p0 =	sne.s32 s2, $0x0  }
0x189: {  	s3 =	rddreg [dreg:$0x2];
	[bflag:$0x3] =	sbarrier.arrive $0xFFFF;
	s2 =	simm.s32 @!p0 $0x1C02  }
0x18a: {  	[timem:s3], [sflag:s2] =	dma.local @!p0 [hbm:s0], s1  }
0x18b: {  	s0 =	simm.s32 @!p0 $0x2  }
0x18c: {  	_ =	swait.ge @!p0 [sflag:s0], s1  }
0x18d: {  	s1 =	ssub.s32 @!p0 $0x0, s1;
	[sflag:s0] =	ssyncset.done @!p0 $0x0  }
0x18e: {  	[sflag:s0] =	ssyncadd.s32 @!p0 s1  }
0x18f: {  	[bflag:$0x3] =	sbarrier.arrive $0xFFFF  }
0x190: {  	_ =	shalt  }

</sc_bundles>
